<compile_context>
chip_gen: v7x
topology: tpu7x:2x2x1
jax: 0.10.2.dev20260603
libtpu: 0.0.44.dev20260713+nightly
codegen_flags: <defaults>
</compile_context>

<pallas_src>
import jax
import jax.numpy as jnp
from jax import lax
from jax.experimental import pallas as pl
from jax.experimental.pallas import tpu as pltpu
from jax.experimental.pallas import tpu_sc as plsc

_N = 100000
_B = 256
_ANN = 128
_H = 64

_BN = 16384
_GRID = (_N + _BN - 1) // _BN

_NW = 32
_CH = 3136
_LAST = _N - (_NW - 1) * _CH


def _stage1(ann_ref, wred_ref, wg_ref, wo_ref, s_ref, t_ref):
    wg2 = wg_ref[0:_H, :] + wg_ref[_H:2 * _H, :]
    wo2 = wo_ref[0:_H, :] + wo_ref[_H:2 * _H, :]
    w2 = jnp.dot(wred_ref[...], jnp.concatenate([wg2, wo2], axis=1),
                 preferred_element_type=jnp.float32)
    st = jnp.dot(ann_ref[...], w2, preferred_element_type=jnp.float32)
    stt = jnp.transpose(st)
    s_ref[...] = stt[0]
    t_ref[...] = stt[1]


def _take16(x, idx):
    dnums = lax.GatherDimensionNumbers(
        offset_dims=(), collapsed_slice_dims=(0,), start_index_map=(0,))
    return lax.gather(x, idx[:, None], dnums, (1,),
                      mode=lax.GatherScatterMode.PROMISE_IN_BOUNDS)


def _stage2_call(s1, t1, segi):
    mesh = plsc.VectorSubcoreMesh(core_axis_name="c", subcore_axis_name="s")
    part = jax.ShapeDtypeStruct((_NW, _B), jnp.float32)

    @pl.kernel(
        out_type=[part, part, part],
        mesh=mesh,
        compiler_params=pltpu.CompilerParams(needs_layout_passes=False),
        scratch_types=[
            pltpu.VMEM((_CH,), jnp.float32),
            pltpu.VMEM((_CH,), jnp.float32),
            pltpu.VMEM((_CH,), jnp.int32),
            pltpu.VMEM((_B,), jnp.float32),
            pltpu.VMEM((_B,), jnp.float32),
            pltpu.VMEM((_B,), jnp.float32),
            pltpu.SemaphoreType.DMA,
        ],
    )
    def sc_kernel(s_hbm, t_hbm, id_hbm, mo_hbm, do_hbm, to_hbm,
                  s_loc, t_loc, id_loc, m_tab, d_tab, t_tab, sem):
        wid = lax.axis_index("s") * 2 + lax.axis_index("c")
        base = wid * _CH
        nv = jnp.where(wid == _NW - 1, _LAST // 16, _CH // 16)

        rest = _CH - _LAST
        cps = [
            pltpu.make_async_copy(s_hbm.at[pl.ds(base, _LAST)],
                                  s_loc.at[pl.ds(0, _LAST)], sem),
            pltpu.make_async_copy(t_hbm.at[pl.ds(base, _LAST)],
                                  t_loc.at[pl.ds(0, _LAST)], sem),
            pltpu.make_async_copy(id_hbm.at[pl.ds(base, _LAST)],
                                  id_loc.at[pl.ds(0, _LAST)], sem),
        ]
        tails = [
            pltpu.make_async_copy(s_hbm.at[pl.ds(base + _LAST, rest)],
                                  s_loc.at[pl.ds(_LAST, rest)], sem),
            pltpu.make_async_copy(t_hbm.at[pl.ds(base + _LAST, rest)],
                                  t_loc.at[pl.ds(_LAST, rest)], sem),
            pltpu.make_async_copy(id_hbm.at[pl.ds(base + _LAST, rest)],
                                  id_loc.at[pl.ds(_LAST, rest)], sem),
        ]
        for cp in cps:
            cp.start()

        @pl.when(wid < _NW - 1)
        def _tail_start():
            for cp in tails:
                cp.start()

        for cp in cps:
            cp.wait()

        @pl.when(wid < _NW - 1)
        def _tail_wait():
            for cp in tails:
                cp.wait()

        minus_inf = jnp.full((16,), -jnp.inf, jnp.float32)
        zeros16 = jnp.zeros((16,), jnp.float32)

        @pl.loop(0, _B, step=16)
        def _init(o):
            oo = pl.multiple_of(o, 16)
            m_tab[pl.ds(oo, 16)] = minus_inf
            d_tab[pl.ds(oo, 16)] = zeros16
            t_tab[pl.ds(oo, 16)] = zeros16

        iota16 = lax.broadcasted_iota(jnp.int32, (16,), 0)
        shift_idx = [jnp.maximum(iota16 - k, 0) for k in (1, 2, 4, 8)]
        next_idx = jnp.minimum(iota16 + 1, 15)

        def _run_masks(ids):
            oks = []
            for k, idx in zip((1, 2, 4, 8), shift_idx):
                oks.append((_take16(ids, idx) == ids) & (iota16 >= k))
            last = (ids != _take16(ids, next_idx)) | (iota16 == 15)
            return oks, last

        def _seg_max(off):
            ids = id_loc[pl.ds(off, 16)]
            acc = s_loc[pl.ds(off, 16)]
            for idx in shift_idx:
                ok = _take16(ids, idx) == ids
                acc = jnp.maximum(
                    acc, jnp.where(ok, _take16(acc, idx), -jnp.inf))
            last = (ids != _take16(ids, next_idx)) | (iota16 == 15)
            return ids, acc, last

        def _sweep_max(j, _):
            off = pl.multiple_of(j * 32, 16)
            ids_a, acc_a, last_a = _seg_max(off)
            ids_b, acc_b, last_b = _seg_max(off + 16)
            cur_a = plsc.load_gather(m_tab, [ids_a])
            plsc.store_scatter(m_tab, [ids_a], jnp.maximum(cur_a, acc_a),
                               mask=last_a)
            cur_b = plsc.load_gather(m_tab, [ids_b])
            plsc.store_scatter(m_tab, [ids_b], jnp.maximum(cur_b, acc_b),
                               mask=last_b)
            return _

        lax.fori_loop(0, nv // 2, _sweep_max, None)

        def _seg_sums(off):
            ids = id_loc[pl.ds(off, 16)]
            s16 = s_loc[pl.ds(off, 16)]
            t16 = t_loc[pl.ds(off, 16)]
            m16 = plsc.load_gather(m_tab, [ids])
            e = jnp.exp(s16 - m16)
            et = e * t16
            oks, last = _run_masks(ids)
            for ok, idx in zip(oks, shift_idx):
                e = e + jnp.where(ok, _take16(e, idx), 0.0)
                et = et + jnp.where(ok, _take16(et, idx), 0.0)
            return ids, e, et, last

        def _sweep_sum(j, _):
            off = pl.multiple_of(j * 32, 16)
            ids_a, e_a, et_a, last_a = _seg_sums(off)
            ids_b, e_b, et_b, last_b = _seg_sums(off + 16)
            plsc.addupdate_scatter(d_tab, [ids_a], e_a, mask=last_a)
            plsc.addupdate_scatter(t_tab, [ids_a], et_a, mask=last_a)
            plsc.addupdate_scatter(d_tab, [ids_b], e_b, mask=last_b)
            plsc.addupdate_scatter(t_tab, [ids_b], et_b, mask=last_b)
            return _

        lax.fori_loop(0, nv // 2, _sweep_sum, None)

        pltpu.sync_copy(m_tab, mo_hbm.at[wid])
        pltpu.sync_copy(d_tab, do_hbm.at[wid])
        pltpu.sync_copy(t_tab, to_hbm.at[wid])

    return sc_kernel(s1, t1, segi)


def _stage3(mo_ref, do_ref, to_ref, bred_ref, wo_ref, bo_ref, out_ref):
    mw = mo_ref[...]
    m = jnp.max(mw, axis=0, keepdims=True)
    scale = jnp.where(mw == -jnp.inf, 0.0, jnp.exp(mw - m))
    d = jnp.sum(do_ref[...] * scale, axis=0, keepdims=True)
    t = jnp.sum(to_ref[...] * scale, axis=0, keepdims=True)
    wo2 = wo_ref[0:_H, :] + wo_ref[_H:2 * _H, :]
    c1 = jnp.dot(bred_ref[...], wo2, preferred_element_type=jnp.float32)
    out_ref[...] = (t / jnp.maximum(d, 1e-12)
                    + jnp.where(d > 0, 1.0, 0.0) * c1[0, 0]
                    + bo_ref[0, 0])


def kernel(annotation, segment_ids, W_reduce, b_reduce, W_gate, b_gate,
           W_out, b_out):
    segi = segment_ids.astype(jnp.int32)

    s1, t1 = pl.pallas_call(
        _stage1,
        grid=(_GRID,),
        in_specs=[
            pl.BlockSpec((_BN, _ANN), lambda i: (i, 0)),
            pl.BlockSpec((_ANN, _H), lambda i: (0, 0)),
            pl.BlockSpec((2 * _H, 1), lambda i: (0, 0)),
            pl.BlockSpec((2 * _H, 1), lambda i: (0, 0)),
        ],
        out_specs=[
            pl.BlockSpec((_BN,), lambda i: (i,)),
            pl.BlockSpec((_BN,), lambda i: (i,)),
        ],
        out_shape=[
            jax.ShapeDtypeStruct((_N,), jnp.float32),
            jax.ShapeDtypeStruct((_N,), jnp.float32),
        ],
    )(annotation, W_reduce, W_gate, W_out)

    mo, do, to = _stage2_call(s1, t1, segi)

    out = pl.pallas_call(
        _stage3,
        in_specs=[
            pl.BlockSpec((_NW, _B), lambda: (0, 0)),
            pl.BlockSpec((_NW, _B), lambda: (0, 0)),
            pl.BlockSpec((_NW, _B), lambda: (0, 0)),
            pl.BlockSpec((1, _H), lambda: (0, 0)),
            pl.BlockSpec((2 * _H, 1), lambda: (0, 0)),
            pl.BlockSpec((1, 1), lambda: (0, 0)),
        ],
        out_specs=pl.BlockSpec((1, _B), lambda: (0, 0)),
        out_shape=jax.ShapeDtypeStruct((1, _B), jnp.float32),
    )(mo, do, to, b_reduce.reshape(1, _H), W_out, b_out.reshape(1, 1))
    return out.reshape(_B)

# --- scband reference (transcript-rebuilt; emitter-appended) ---
"""Pipeline reference for scband-base-graph-regressor-71184787964150 (READ-ONLY COPY).

The authoritative reference and input builder live on the scoring server;
editing this copy changes nothing except your own understanding.
"""

import jax, jax.numpy as jnp
import numpy as np

N = 100000
B = 256
ANN = 128
H = 64

def setup_inputs(seed: int = 0) -> dict:
    key = jax.random.key(seed)
    ks = jax.random.split(key, 8)
    annotation = jax.random.normal(ks[0], (N, ANN), dtype=jnp.float32)
    segment_ids = jnp.sort(jax.random.randint(ks[1], (N,), 0, B, dtype=jnp.int32)).astype(jnp.int64)
    W_reduce = jax.random.normal(ks[2], (ANN, H), dtype=jnp.float32) * 0.02
    b_reduce = jnp.zeros((H,), dtype=jnp.float32)
    W_gate = jax.random.normal(ks[3], (2 * H, 1), dtype=jnp.float32) * 0.02
    b_gate = jnp.zeros((1,), dtype=jnp.float32)
    W_out = jax.random.normal(ks[4], (2 * H, 1), dtype=jnp.float32) * 0.02
    b_out = jnp.zeros((1,), dtype=jnp.float32)
    return {
        "annotation": annotation,
        "segment_ids": segment_ids,
        "W_reduce": W_reduce,
        "b_reduce": b_reduce,
        "W_gate": W_gate,
        "b_gate": b_gate,
        "W_out": W_out,
        "b_out": b_out,
    }

def reference(annotation, segment_ids, W_reduce, b_reduce, W_gate, b_gate, W_out, b_out):
    # reduce_layer: project annotations to hidden size
    ann = annotation @ W_reduce + b_reduce
    # encode_nodes: base class is abstract; identity pass-through used as backbone
    h = ann
    node_repr = jnp.concatenate([h, ann], axis=-1)  # [N, 2H]
    # GlobalAttentionPooling: gate = Linear(2H -> 1), softmax over nodes per graph,
    # weighted segment-sum readout
    scores = (node_repr @ W_gate + b_gate)[:, 0]  # [N]
    seg = segment_ids.astype(jnp.int32)
    m = jax.ops.segment_max(scores, seg, num_segments=B)
    m = jnp.where(jnp.isfinite(m), m, 0.0)
    e = jnp.exp(scores - m[seg])
    denom = jax.ops.segment_sum(e, seg, num_segments=B)
    attn = e / jnp.maximum(denom[seg], 1e-12)
    graph_repr = jax.ops.segment_sum(attn[:, None] * node_repr, seg, num_segments=B)  # [B, 2H]
    preds = graph_repr @ W_out + b_out  # [B, 1]
    return preds[:, 0]  # target_dim == 1 -> squeeze(-1)

if __name__ == "__main__":
    import jax
    _d = setup_inputs()
    print(jax.jit(kernel)(*tuple(_d.values())))

</pallas_src>

<mosaic_0001>
#map = affine_map<(d0, d1) -> (0)>
#map1 = affine_map<(d0, d1) -> (0, 0)>
module attributes {stable_mosaic.version = 14 : i64} {
  func.func @sc_kernel(%arg0: i32, %arg1: i32, %arg2: memref<100000xf32, #tpu.memory_space<hbm>>, %arg3: memref<100000xf32, #tpu.memory_space<hbm>>, %arg4: memref<100000xi32, #tpu.memory_space<hbm>>, %arg5: memref<32x256xf32, #tpu.memory_space<hbm>>, %arg6: memref<32x256xf32, #tpu.memory_space<hbm>>, %arg7: memref<32x256xf32, #tpu.memory_space<hbm>>, %arg8: memref<3136xf32, #tpu.memory_space<vmem>>, %arg9: memref<3136xf32, #tpu.memory_space<vmem>>, %arg10: memref<3136xi32, #tpu.memory_space<vmem>>, %arg11: memref<256xf32, #tpu.memory_space<vmem>>, %arg12: memref<256xf32, #tpu.memory_space<vmem>>, %arg13: memref<256xf32, #tpu.memory_space<vmem>>, %arg14: memref<!tpu.dma_semaphore, #tpu.memory_space<semaphore_mem>>) attributes {dimension_semantics = [#tpu.dimension_semantics<core_parallel>, #tpu.dimension_semantics<subcore_parallel>], iteration_bounds = array<i64: 2, 16>, scalar_prefetch = 0 : i64, scratch_operands = 7 : i64, tpu.core_type = #tpu.core_type<sc_vector_subcore>, window_params = [{transform_indices = #map}, {transform_indices = #map}, {transform_indices = #map}, {transform_indices = #map1}, {transform_indices = #map1}, {transform_indices = #map1}]} {
    %mul3A = arith.constant 2 : i32
    %mul3A_0 = arith.muli %arg1, %mul3A : i32
    %add3A = arith.addi %mul3A_0, %arg0 : i32
    %mul3A_1 = arith.constant 3136 : i32
    %mul3A_2 = arith.muli %add3A, %mul3A_1 : i32
    %eq3A = arith.constant 31 : i32
    %eq3A_3 = arith.cmpi eq, %add3A, %eq3A : i32
    %jit3A = arith.constant 174 : i32
    %jit3A_4 = arith.constant 196 : i32
    %select_n3A = arith.select %eq3A_3, %jit3A, %jit3A_4 : i32
    %add3A_5 = arith.constant 2784 : i32
    %add3A_6 = arith.addi %mul3A_2, %add3A_5 : i32
    %add3A_7 = arith.constant 2784 : i32
    %add3A_8 = arith.addi %mul3A_2, %add3A_7 : i32
    %add3A_9 = arith.constant 2784 : i32
    %add3A_10 = arith.addi %mul3A_2, %add3A_9 : i32
    %dma_start3A = arith.constant 0 : i32
    %dma_start3A_11 = tpu.memref_slice %arg8[%dma_start3A] : memref<3136xf32, #tpu.memory_space<vmem>> -> memref<2784xf32, #tpu.memory_space<vmem>>
    %dma_start3A_12 = tpu.memref_slice %arg2[%mul3A_2] : memref<100000xf32, #tpu.memory_space<hbm>> -> memref<2784xf32, #tpu.memory_space<hbm>>
    %dma_start3A_13 = arith.constant 0 : i32
    %dma_start3A_14 = tpu.memref_slice %arg8[%dma_start3A_13] : memref<3136xf32, #tpu.memory_space<vmem>> -> memref<2784xf32, #tpu.memory_space<vmem>>
    %dma_start3A_15 = tpu.memref_slice %arg2[%mul3A_2] : memref<100000xf32, #tpu.memory_space<hbm>> -> memref<2784xf32, #tpu.memory_space<hbm>>
    tpu.enqueue_dma source(%dma_start3A_15 : memref<2784xf32, #tpu.memory_space<hbm>>) target(%dma_start3A_14 : memref<2784xf32, #tpu.memory_space<vmem>>) target_semaphore(%arg14 : memref<!tpu.dma_semaphore, #tpu.memory_space<semaphore_mem>>)
    %dma_start3A_16 = arith.constant 0 : i32
    %dma_start3A_17 = tpu.memref_slice %arg9[%dma_start3A_16] : memref<3136xf32, #tpu.memory_space<vmem>> -> memref<2784xf32, #tpu.memory_space<vmem>>
    %dma_start3A_18 = tpu.memref_slice %arg3[%mul3A_2] : memref<100000xf32, #tpu.memory_space<hbm>> -> memref<2784xf32, #tpu.memory_space<hbm>>
    %dma_start3A_19 = arith.constant 0 : i32
    %dma_start3A_20 = tpu.memref_slice %arg9[%dma_start3A_19] : memref<3136xf32, #tpu.memory_space<vmem>> -> memref<2784xf32, #tpu.memory_space<vmem>>
    %dma_start3A_21 = tpu.memref_slice %arg3[%mul3A_2] : memref<100000xf32, #tpu.memory_space<hbm>> -> memref<2784xf32, #tpu.memory_space<hbm>>
    tpu.enqueue_dma source(%dma_start3A_21 : memref<2784xf32, #tpu.memory_space<hbm>>) target(%dma_start3A_20 : memref<2784xf32, #tpu.memory_space<vmem>>) target_semaphore(%arg14 : memref<!tpu.dma_semaphore, #tpu.memory_space<semaphore_mem>>)
    %dma_start3A_22 = arith.constant 0 : i32
    %dma_start3A_23 = tpu.memref_slice %arg10[%dma_start3A_22] : memref<3136xi32, #tpu.memory_space<vmem>> -> memref<2784xi32, #tpu.memory_space<vmem>>
    %dma_start3A_24 = tpu.memref_slice %arg4[%mul3A_2] : memref<100000xi32, #tpu.memory_space<hbm>> -> memref<2784xi32, #tpu.memory_space<hbm>>
    %dma_start3A_25 = arith.constant 0 : i32
    %dma_start3A_26 = tpu.memref_slice %arg10[%dma_start3A_25] : memref<3136xi32, #tpu.memory_space<vmem>> -> memref<2784xi32, #tpu.memory_space<vmem>>
    %dma_start3A_27 = tpu.memref_slice %arg4[%mul3A_2] : memref<100000xi32, #tpu.memory_space<hbm>> -> memref<2784xi32, #tpu.memory_space<hbm>>
    tpu.enqueue_dma source(%dma_start3A_27 : memref<2784xi32, #tpu.memory_space<hbm>>) target(%dma_start3A_26 : memref<2784xi32, #tpu.memory_space<vmem>>) target_semaphore(%arg14 : memref<!tpu.dma_semaphore, #tpu.memory_space<semaphore_mem>>)
    %lt3A = arith.constant 31 : i32
    %lt3A_28 = arith.cmpi slt, %add3A, %lt3A : i32
    %convert_element_type3A = arith.extui %lt3A_28 : i1 to i32
    %cond3A = arith.constant 0 : i32
    %cond3A_29 = arith.cmpi ne, %convert_element_type3A, %cond3A : i32
    scf.if %cond3A_29 {
      %dma_start3A_146 = arith.constant 2784 : i32
      %dma_start3A_147 = tpu.memref_slice %arg8[%dma_start3A_146] : memref<3136xf32, #tpu.memory_space<vmem>> -> memref<352xf32, #tpu.memory_space<vmem>>
      %dma_start3A_148 = tpu.memref_slice %arg2[%add3A_6] : memref<100000xf32, #tpu.memory_space<hbm>> -> memref<352xf32, #tpu.memory_space<hbm>>
      %dma_start3A_149 = arith.constant 2784 : i32
      %dma_start3A_150 = tpu.memref_slice %arg8[%dma_start3A_149] : memref<3136xf32, #tpu.memory_space<vmem>> -> memref<352xf32, #tpu.memory_space<vmem>>
      %dma_start3A_151 = tpu.memref_slice %arg2[%add3A_6] : memref<100000xf32, #tpu.memory_space<hbm>> -> memref<352xf32, #tpu.memory_space<hbm>>
      tpu.enqueue_dma source(%dma_start3A_151 : memref<352xf32, #tpu.memory_space<hbm>>) target(%dma_start3A_150 : memref<352xf32, #tpu.memory_space<vmem>>) target_semaphore(%arg14 : memref<!tpu.dma_semaphore, #tpu.memory_space<semaphore_mem>>)
      %dma_start3A_152 = arith.constant 2784 : i32
      %dma_start3A_153 = tpu.memref_slice %arg9[%dma_start3A_152] : memref<3136xf32, #tpu.memory_space<vmem>> -> memref<352xf32, #tpu.memory_space<vmem>>
      %dma_start3A_154 = tpu.memref_slice %arg3[%add3A_8] : memref<100000xf32, #tpu.memory_space<hbm>> -> memref<352xf32, #tpu.memory_space<hbm>>
      %dma_start3A_155 = arith.constant 2784 : i32
      %dma_start3A_156 = tpu.memref_slice %arg9[%dma_start3A_155] : memref<3136xf32, #tpu.memory_space<vmem>> -> memref<352xf32, #tpu.memory_space<vmem>>
      %dma_start3A_157 = tpu.memref_slice %arg3[%add3A_8] : memref<100000xf32, #tpu.memory_space<hbm>> -> memref<352xf32, #tpu.memory_space<hbm>>
      tpu.enqueue_dma source(%dma_start3A_157 : memref<352xf32, #tpu.memory_space<hbm>>) target(%dma_start3A_156 : memref<352xf32, #tpu.memory_space<vmem>>) target_semaphore(%arg14 : memref<!tpu.dma_semaphore, #tpu.memory_space<semaphore_mem>>)
      %dma_start3A_158 = arith.constant 2784 : i32
      %dma_start3A_159 = tpu.memref_slice %arg10[%dma_start3A_158] : memref<3136xi32, #tpu.memory_space<vmem>> -> memref<352xi32, #tpu.memory_space<vmem>>
      %dma_start3A_160 = tpu.memref_slice %arg4[%add3A_10] : memref<100000xi32, #tpu.memory_space<hbm>> -> memref<352xi32, #tpu.memory_space<hbm>>
      %dma_start3A_161 = arith.constant 2784 : i32
      %dma_start3A_162 = tpu.memref_slice %arg10[%dma_start3A_161] : memref<3136xi32, #tpu.memory_space<vmem>> -> memref<352xi32, #tpu.memory_space<vmem>>
      %dma_start3A_163 = tpu.memref_slice %arg4[%add3A_10] : memref<100000xi32, #tpu.memory_space<hbm>> -> memref<352xi32, #tpu.memory_space<hbm>>
      tpu.enqueue_dma source(%dma_start3A_163 : memref<352xi32, #tpu.memory_space<hbm>>) target(%dma_start3A_162 : memref<352xi32, #tpu.memory_space<vmem>>) target_semaphore(%arg14 : memref<!tpu.dma_semaphore, #tpu.memory_space<semaphore_mem>>)
    } else {
    }
    %dma_wait3A = arith.constant 0 : i32
    %dma_wait3A_30 = tpu.memref_slice %arg8[%dma_wait3A] : memref<3136xf32, #tpu.memory_space<vmem>> -> memref<2784xf32, #tpu.memory_space<vmem>>
    %dma_wait3A_31 = tpu.memref_slice %arg2[%mul3A_2] : memref<100000xf32, #tpu.memory_space<hbm>> -> memref<2784xf32, #tpu.memory_space<hbm>>
    %dma_wait3A_32 = arith.constant 0 : i32
    %dma_wait3A_33 = tpu.memref_slice %arg8[%dma_wait3A_32] : memref<3136xf32, #tpu.memory_space<vmem>> -> memref<2784xf32, #tpu.memory_space<vmem>>
    %dma_wait3A_34 = tpu.memref_slice %arg2[%mul3A_2] : memref<100000xf32, #tpu.memory_space<hbm>> -> memref<2784xf32, #tpu.memory_space<hbm>>
    tpu.wait_dma2 semaphore(%arg14 : memref<!tpu.dma_semaphore, #tpu.memory_space<semaphore_mem>>) src(%dma_wait3A_34 : memref<2784xf32, #tpu.memory_space<hbm>>) dst(%dma_wait3A_33 : memref<2784xf32, #tpu.memory_space<vmem>>)
    %dma_wait3A_35 = arith.constant 0 : i32
    %dma_wait3A_36 = tpu.memref_slice %arg9[%dma_wait3A_35] : memref<3136xf32, #tpu.memory_space<vmem>> -> memref<2784xf32, #tpu.memory_space<vmem>>
    %dma_wait3A_37 = tpu.memref_slice %arg3[%mul3A_2] : memref<100000xf32, #tpu.memory_space<hbm>> -> memref<2784xf32, #tpu.memory_space<hbm>>
    %dma_wait3A_38 = arith.constant 0 : i32
    %dma_wait3A_39 = tpu.memref_slice %arg9[%dma_wait3A_38] : memref<3136xf32, #tpu.memory_space<vmem>> -> memref<2784xf32, #tpu.memory_space<vmem>>
    %dma_wait3A_40 = tpu.memref_slice %arg3[%mul3A_2] : memref<100000xf32, #tpu.memory_space<hbm>> -> memref<2784xf32, #tpu.memory_space<hbm>>
    tpu.wait_dma2 semaphore(%arg14 : memref<!tpu.dma_semaphore, #tpu.memory_space<semaphore_mem>>) src(%dma_wait3A_40 : memref<2784xf32, #tpu.memory_space<hbm>>) dst(%dma_wait3A_39 : memref<2784xf32, #tpu.memory_space<vmem>>)
    %dma_wait3A_41 = arith.constant 0 : i32
    %dma_wait3A_42 = tpu.memref_slice %arg10[%dma_wait3A_41] : memref<3136xi32, #tpu.memory_space<vmem>> -> memref<2784xi32, #tpu.memory_space<vmem>>
    %dma_wait3A_43 = tpu.memref_slice %arg4[%mul3A_2] : memref<100000xi32, #tpu.memory_space<hbm>> -> memref<2784xi32, #tpu.memory_space<hbm>>
    %dma_wait3A_44 = arith.constant 0 : i32
    %dma_wait3A_45 = tpu.memref_slice %arg10[%dma_wait3A_44] : memref<3136xi32, #tpu.memory_space<vmem>> -> memref<2784xi32, #tpu.memory_space<vmem>>
    %dma_wait3A_46 = tpu.memref_slice %arg4[%mul3A_2] : memref<100000xi32, #tpu.memory_space<hbm>> -> memref<2784xi32, #tpu.memory_space<hbm>>
    tpu.wait_dma2 semaphore(%arg14 : memref<!tpu.dma_semaphore, #tpu.memory_space<semaphore_mem>>) src(%dma_wait3A_46 : memref<2784xi32, #tpu.memory_space<hbm>>) dst(%dma_wait3A_45 : memref<2784xi32, #tpu.memory_space<vmem>>)
    %lt3A_47 = arith.constant 31 : i32
    %lt3A_48 = arith.cmpi slt, %add3A, %lt3A_47 : i32
    %convert_element_type3A_49 = arith.extui %lt3A_48 : i1 to i32
    %cond3A_50 = arith.constant 0 : i32
    %cond3A_51 = arith.cmpi ne, %convert_element_type3A_49, %cond3A_50 : i32
    scf.if %cond3A_51 {
      %dma_wait3A_146 = arith.constant 2784 : i32
      %dma_wait3A_147 = tpu.memref_slice %arg8[%dma_wait3A_146] : memref<3136xf32, #tpu.memory_space<vmem>> -> memref<352xf32, #tpu.memory_space<vmem>>
      %dma_wait3A_148 = tpu.memref_slice %arg2[%add3A_6] : memref<100000xf32, #tpu.memory_space<hbm>> -> memref<352xf32, #tpu.memory_space<hbm>>
      %dma_wait3A_149 = arith.constant 2784 : i32
      %dma_wait3A_150 = tpu.memref_slice %arg8[%dma_wait3A_149] : memref<3136xf32, #tpu.memory_space<vmem>> -> memref<352xf32, #tpu.memory_space<vmem>>
      %dma_wait3A_151 = tpu.memref_slice %arg2[%add3A_6] : memref<100000xf32, #tpu.memory_space<hbm>> -> memref<352xf32, #tpu.memory_space<hbm>>
      tpu.wait_dma2 semaphore(%arg14 : memref<!tpu.dma_semaphore, #tpu.memory_space<semaphore_mem>>) src(%dma_wait3A_151 : memref<352xf32, #tpu.memory_space<hbm>>) dst(%dma_wait3A_150 : memref<352xf32, #tpu.memory_space<vmem>>)
      %dma_wait3A_152 = arith.constant 2784 : i32
      %dma_wait3A_153 = tpu.memref_slice %arg9[%dma_wait3A_152] : memref<3136xf32, #tpu.memory_space<vmem>> -> memref<352xf32, #tpu.memory_space<vmem>>
      %dma_wait3A_154 = tpu.memref_slice %arg3[%add3A_8] : memref<100000xf32, #tpu.memory_space<hbm>> -> memref<352xf32, #tpu.memory_space<hbm>>
      %dma_wait3A_155 = arith.constant 2784 : i32
      %dma_wait3A_156 = tpu.memref_slice %arg9[%dma_wait3A_155] : memref<3136xf32, #tpu.memory_space<vmem>> -> memref<352xf32, #tpu.memory_space<vmem>>
      %dma_wait3A_157 = tpu.memref_slice %arg3[%add3A_8] : memref<100000xf32, #tpu.memory_space<hbm>> -> memref<352xf32, #tpu.memory_space<hbm>>
      tpu.wait_dma2 semaphore(%arg14 : memref<!tpu.dma_semaphore, #tpu.memory_space<semaphore_mem>>) src(%dma_wait3A_157 : memref<352xf32, #tpu.memory_space<hbm>>) dst(%dma_wait3A_156 : memref<352xf32, #tpu.memory_space<vmem>>)
      %dma_wait3A_158 = arith.constant 2784 : i32
      %dma_wait3A_159 = tpu.memref_slice %arg10[%dma_wait3A_158] : memref<3136xi32, #tpu.memory_space<vmem>> -> memref<352xi32, #tpu.memory_space<vmem>>
      %dma_wait3A_160 = tpu.memref_slice %arg4[%add3A_10] : memref<100000xi32, #tpu.memory_space<hbm>> -> memref<352xi32, #tpu.memory_space<hbm>>
      %dma_wait3A_161 = arith.constant 2784 : i32
      %dma_wait3A_162 = tpu.memref_slice %arg10[%dma_wait3A_161] : memref<3136xi32, #tpu.memory_space<vmem>> -> memref<352xi32, #tpu.memory_space<vmem>>
      %dma_wait3A_163 = tpu.memref_slice %arg4[%add3A_10] : memref<100000xi32, #tpu.memory_space<hbm>> -> memref<352xi32, #tpu.memory_space<hbm>>
      tpu.wait_dma2 semaphore(%arg14 : memref<!tpu.dma_semaphore, #tpu.memory_space<semaphore_mem>>) src(%dma_wait3A_163 : memref<352xi32, #tpu.memory_space<hbm>>) dst(%dma_wait3A_162 : memref<352xi32, #tpu.memory_space<vmem>>)
    } else {
    }
    %broadcast_in_dim3A = arith.constant 0xFF800000 : f32
    %broadcast_in_dim3A_52 = vector.broadcast %broadcast_in_dim3A : f32 to vector<16xf32>
    %broadcast_in_dim3A_53 = arith.constant 0.000000e+00 : f32
    %broadcast_in_dim3A_54 = vector.broadcast %broadcast_in_dim3A_53 : f32 to vector<16xf32>
    %scan3A = arith.constant 0 : i32
    %scan3A_55 = arith.constant 16 : i32
    %scan3A_56 = arith.addi %scan3A, %scan3A_55 : i32
    %scan3A_57 = arith.constant 1 : i32
    scf.for %scan3A_146 = %scan3A to %scan3A_56 step %scan3A_57  : i32 {
      %mul3A_147 = arith.constant 16 : i32
      %mul3A_148 = arith.muli %scan3A_146, %mul3A_147 : i32
      %add3A_149 = arith.constant 0 : i32
      %add3A_150 = arith.addi %add3A_149, %mul3A_148 : i32
      %multiple_of3A = tpu.assume_multiple %add3A_150, 16 : i32
      %swap3A = arith.index_cast %multiple_of3A : i32 to index
      %swap3A_151 = tpu.vector_load %arg11[%swap3A] {strides = array<i32>} : memref<256xf32, #tpu.memory_space<vmem>>, vector<16xf32>,
      tpu.vector_store %arg11[%swap3A], %broadcast_in_dim3A_52 {strides = array<i32>} : memref<256xf32, #tpu.memory_space<vmem>>, vector<16xf32>,
      %swap3A_152 = arith.index_cast %multiple_of3A : i32 to index
      %swap3A_153 = tpu.vector_load %arg12[%swap3A_152] {strides = array<i32>} : memref<256xf32, #tpu.memory_space<vmem>>, vector<16xf32>,
      tpu.vector_store %arg12[%swap3A_152], %broadcast_in_dim3A_54 {strides = array<i32>} : memref<256xf32, #tpu.memory_space<vmem>>, vector<16xf32>,
      %swap3A_154 = arith.index_cast %multiple_of3A : i32 to index
      %swap3A_155 = tpu.vector_load %arg13[%swap3A_154] {strides = array<i32>} : memref<256xf32, #tpu.memory_space<vmem>>, vector<16xf32>,
      tpu.vector_store %arg13[%swap3A_154], %broadcast_in_dim3A_54 {strides = array<i32>} : memref<256xf32, #tpu.memory_space<vmem>>, vector<16xf32>,
    }
    %scan3A_58 = arith.constant 16 : i32
    %iota3A = tpu.iota {dimensions = array<i32: 0>} : vector<16xi32>
    %sub3A = arith.constant 1 : i32
    %sub3A_59 = vector.broadcast %sub3A : i32 to vector<16xi32>
    %sub3A_60 = arith.subi %iota3A, %sub3A_59 : vector<16xi32>
    %max3A = arith.constant 0 : i32
    %max3A_61 = vector.broadcast %max3A : i32 to vector<16xi32>
    %max3A_62 = arith.maxsi %sub3A_60, %max3A_61 : vector<16xi32>
    %sub3A_63 = arith.constant 2 : i32
    %sub3A_64 = vector.broadcast %sub3A_63 : i32 to vector<16xi32>
    %sub3A_65 = arith.subi %iota3A, %sub3A_64 : vector<16xi32>
    %max3A_66 = arith.constant 0 : i32
    %max3A_67 = vector.broadcast %max3A_66 : i32 to vector<16xi32>
    %max3A_68 = arith.maxsi %sub3A_65, %max3A_67 : vector<16xi32>
    %sub3A_69 = arith.constant 4 : i32
    %sub3A_70 = vector.broadcast %sub3A_69 : i32 to vector<16xi32>
    %sub3A_71 = arith.subi %iota3A, %sub3A_70 : vector<16xi32>
    %max3A_72 = arith.constant 0 : i32
    %max3A_73 = vector.broadcast %max3A_72 : i32 to vector<16xi32>
    %max3A_74 = arith.maxsi %sub3A_71, %max3A_73 : vector<16xi32>
    %sub3A_75 = arith.constant 8 : i32
    %sub3A_76 = vector.broadcast %sub3A_75 : i32 to vector<16xi32>
    %sub3A_77 = arith.subi %iota3A, %sub3A_76 : vector<16xi32>
    %max3A_78 = arith.constant 0 : i32
    %max3A_79 = vector.broadcast %max3A_78 : i32 to vector<16xi32>
    %max3A_80 = arith.maxsi %sub3A_77, %max3A_79 : vector<16xi32>
    %add3A_81 = arith.constant 1 : i32
    %add3A_82 = vector.broadcast %add3A_81 : i32 to vector<16xi32>
    %add3A_83 = arith.addi %iota3A, %add3A_82 : vector<16xi32>
    %min3A = arith.constant 15 : i32
    %min3A_84 = vector.broadcast %min3A : i32 to vector<16xi32>
    %min3A_85 = arith.minsi %add3A_83, %min3A_84 : vector<16xi32>
    %jit3A_86 = arith.constant 2 : i32
    %div3A = arith.divsi %select_n3A, %jit3A_86 : i32
    %sign3A = arith.constant 0 : i32
    %sign3A_87 = arith.cmpi sgt, %select_n3A, %sign3A : i32
    %sign3A_88 = arith.extui %sign3A_87 : i1 to i32
    %sign3A_89 = arith.constant 0 : i32
    %sign3A_90 = arith.cmpi slt, %select_n3A, %sign3A_89 : i32
    %sign3A_91 = arith.extui %sign3A_90 : i1 to i32
    %sign3A_92 = arith.subi %sign3A_88, %sign3A_91 : i32
    %sign3A_93 = arith.constant 0 : i32
    %sign3A_94 = arith.cmpi sgt, %jit3A_86, %sign3A_93 : i32
    %sign3A_95 = arith.extui %sign3A_94 : i1 to i32
    %sign3A_96 = arith.constant 0 : i32
    %sign3A_97 = arith.cmpi slt, %jit3A_86, %sign3A_96 : i32
    %sign3A_98 = arith.extui %sign3A_97 : i1 to i32
    %sign3A_99 = arith.subi %sign3A_95, %sign3A_98 : i32
    %ne3A = arith.cmpi ne, %sign3A_92, %sign3A_99 : i32
    %rem3A = arith.remsi %select_n3A, %jit3A_86 : i32
    %ne3A_100 = arith.constant 0 : i32
    %ne3A_101 = arith.cmpi ne, %rem3A, %ne3A_100 : i32
    %and3A = arith.andi %ne3A, %ne3A_101 : i1
    %sub3A_102 = arith.constant 1 : i32
    %sub3A_103 = arith.subi %div3A, %sub3A_102 : i32
    %select_n3A_104 = arith.select %and3A, %sub3A_103, %div3A : i32
    %while3A = arith.constant 0 : i32
    %while3A_105 = arith.subi %select_n3A_104, %while3A : i32
    %while3A_106 = arith.addi %while3A, %while3A_105 : i32
    %while3A_107 = arith.constant 1 : i32
    %while3A_108 = arith.divsi %while3A_105, %while3A_107 : i32
    %while3A_109 = arith.muli %while3A_108, %while3A_107 : i32
    %while3A_110 = arith.addi %while3A, %while3A_109 : i32
    %while3A_111 = arith.constant 1 : i32
    scf.for %while3A_146 = %while3A to %while3A_110 step %while3A_111  : i32 {
      %mul3A_147 = arith.constant 32 : i32
      %mul3A_148 = arith.muli %while3A_146, %mul3A_147 : i32
      %multiple_of3A = tpu.assume_multiple %mul3A_148, 16 : i32
      %get3A = arith.index_cast %multiple_of3A : i32 to index
      %get3A_149 = tpu.vector_load %arg10[%get3A] {strides = array<i32>} : memref<3136xi32, #tpu.memory_space<vmem>>, vector<16xi32>,
      %get3A_150 = arith.index_cast %multiple_of3A : i32 to index
      %get3A_151 = tpu.vector_load %arg8[%get3A_150] {strides = array<i32>} : memref<3136xf32, #tpu.memory_space<vmem>>, vector<16xf32>,
      %broadcast_in_dim3A_152 = vector.shape_cast %max3A_62 : vector<16xi32> to vector<16x1xi32>
      %gather3A = vector.shape_cast %broadcast_in_dim3A_152 : vector<16x1xi32> to vector<16xi32>
      %gather3A_153 = tpu.dynamic_gather %get3A_149[%gather3A] in [0] : vector<16xi32>, vector<16xi32> -> vector<16xi32>
      %eq3A_154 = arith.cmpi eq, %gather3A_153, %get3A_149 : vector<16xi32>
      %broadcast_in_dim3A_155 = vector.shape_cast %max3A_62 : vector<16xi32> to vector<16x1xi32>
      %gather3A_156 = vector.shape_cast %broadcast_in_dim3A_155 : vector<16x1xi32> to vector<16xi32>
      %gather3A_157 = tpu.dynamic_gather %get3A_151[%gather3A_156] in [0] : vector<16xf32>, vector<16xi32> -> vector<16xf32>
      %jit3A_158 = arith.constant 0xFF800000 : f32
      %broadcast_in_dim3A_159 = vector.broadcast %jit3A_158 : f32 to vector<16xf32>
      %select_n3A_160 = arith.select %eq3A_154, %gather3A_157, %broadcast_in_dim3A_159 : vector<16xi1>, vector<16xf32>
      %max3A_161 = arith.maximumf %get3A_151, %select_n3A_160 : vector<16xf32>
      %broadcast_in_dim3A_162 = vector.shape_cast %max3A_68 : vector<16xi32> to vector<16x1xi32>
      %gather3A_163 = vector.shape_cast %broadcast_in_dim3A_162 : vector<16x1xi32> to vector<16xi32>
      %gather3A_164 = tpu.dynamic_gather %get3A_149[%gather3A_163] in [0] : vector<16xi32>, vector<16xi32> -> vector<16xi32>
      %eq3A_165 = arith.cmpi eq, %gather3A_164, %get3A_149 : vector<16xi32>
      %broadcast_in_dim3A_166 = vector.shape_cast %max3A_68 : vector<16xi32> to vector<16x1xi32>
      %gather3A_167 = vector.shape_cast %broadcast_in_dim3A_166 : vector<16x1xi32> to vector<16xi32>
      %gather3A_168 = tpu.dynamic_gather %max3A_161[%gather3A_167] in [0] : vector<16xf32>, vector<16xi32> -> vector<16xf32>
      %jit3A_169 = arith.constant 0xFF800000 : f32
      %broadcast_in_dim3A_170 = vector.broadcast %jit3A_169 : f32 to vector<16xf32>
      %select_n3A_171 = arith.select %eq3A_165, %gather3A_168, %broadcast_in_dim3A_170 : vector<16xi1>, vector<16xf32>
      %max3A_172 = arith.maximumf %max3A_161, %select_n3A_171 : vector<16xf32>
      %broadcast_in_dim3A_173 = vector.shape_cast %max3A_74 : vector<16xi32> to vector<16x1xi32>
      %gather3A_174 = vector.shape_cast %broadcast_in_dim3A_173 : vector<16x1xi32> to vector<16xi32>
      %gather3A_175 = tpu.dynamic_gather %get3A_149[%gather3A_174] in [0] : vector<16xi32>, vector<16xi32> -> vector<16xi32>
      %eq3A_176 = arith.cmpi eq, %gather3A_175, %get3A_149 : vector<16xi32>
      %broadcast_in_dim3A_177 = vector.shape_cast %max3A_74 : vector<16xi32> to vector<16x1xi32>
      %gather3A_178 = vector.shape_cast %broadcast_in_dim3A_177 : vector<16x1xi32> to vector<16xi32>
      %gather3A_179 = tpu.dynamic_gather %max3A_172[%gather3A_178] in [0] : vector<16xf32>, vector<16xi32> -> vector<16xf32>
      %jit3A_180 = arith.constant 0xFF800000 : f32
      %broadcast_in_dim3A_181 = vector.broadcast %jit3A_180 : f32 to vector<16xf32>
      %select_n3A_182 = arith.select %eq3A_176, %gather3A_179, %broadcast_in_dim3A_181 : vector<16xi1>, vector<16xf32>
      %max3A_183 = arith.maximumf %max3A_172, %select_n3A_182 : vector<16xf32>
      %broadcast_in_dim3A_184 = vector.shape_cast %max3A_80 : vector<16xi32> to vector<16x1xi32>
      %gather3A_185 = vector.shape_cast %broadcast_in_dim3A_184 : vector<16x1xi32> to vector<16xi32>
      %gather3A_186 = tpu.dynamic_gather %get3A_149[%gather3A_185] in [0] : vector<16xi32>, vector<16xi32> -> vector<16xi32>
      %eq3A_187 = arith.cmpi eq, %gather3A_186, %get3A_149 : vector<16xi32>
      %broadcast_in_dim3A_188 = vector.shape_cast %max3A_80 : vector<16xi32> to vector<16x1xi32>
      %gather3A_189 = vector.shape_cast %broadcast_in_dim3A_188 : vector<16x1xi32> to vector<16xi32>
      %gather3A_190 = tpu.dynamic_gather %max3A_183[%gather3A_189] in [0] : vector<16xf32>, vector<16xi32> -> vector<16xf32>
      %jit3A_191 = arith.constant 0xFF800000 : f32
      %broadcast_in_dim3A_192 = vector.broadcast %jit3A_191 : f32 to vector<16xf32>
      %select_n3A_193 = arith.select %eq3A_187, %gather3A_190, %broadcast_in_dim3A_192 : vector<16xi1>, vector<16xf32>
      %max3A_194 = arith.maximumf %max3A_183, %select_n3A_193 : vector<16xf32>
      %broadcast_in_dim3A_195 = vector.shape_cast %min3A_85 : vector<16xi32> to vector<16x1xi32>
      %gather3A_196 = vector.shape_cast %broadcast_in_dim3A_195 : vector<16x1xi32> to vector<16xi32>
      %gather3A_197 = tpu.dynamic_gather %get3A_149[%gather3A_196] in [0] : vector<16xi32>, vector<16xi32> -> vector<16xi32>
      %ne3A_198 = arith.cmpi ne, %get3A_149, %gather3A_197 : vector<16xi32>
      %eq3A_199 = arith.constant 15 : i32
      %eq3A_200 = vector.broadcast %eq3A_199 : i32 to vector<16xi32>
      %eq3A_201 = arith.cmpi eq, %iota3A, %eq3A_200 : vector<16xi32>
      %or3A = arith.ori %ne3A_198, %eq3A_201 : vector<16xi1>
      %add3A_202 = arith.constant 16 : i32
      %add3A_203 = arith.addi %multiple_of3A, %add3A_202 : i32
      %get3A_204 = arith.index_cast %add3A_203 : i32 to index
      %get3A_205 = tpu.vector_load %arg10[%get3A_204] {strides = array<i32>} : memref<3136xi32, #tpu.memory_space<vmem>>, vector<16xi32>,
      %get3A_206 = arith.index_cast %add3A_203 : i32 to index
      %get3A_207 = tpu.vector_load %arg8[%get3A_206] {strides = array<i32>} : memref<3136xf32, #tpu.memory_space<vmem>>, vector<16xf32>,
      %broadcast_in_dim3A_208 = vector.shape_cast %max3A_62 : vector<16xi32> to vector<16x1xi32>
      %gather3A_209 = vector.shape_cast %broadcast_in_dim3A_208 : vector<16x1xi32> to vector<16xi32>
      %gather3A_210 = tpu.dynamic_gather %get3A_205[%gather3A_209] in [0] : vector<16xi32>, vector<16xi32> -> vector<16xi32>
      %eq3A_211 = arith.cmpi eq, %gather3A_210, %get3A_205 : vector<16xi32>
      %broadcast_in_dim3A_212 = vector.shape_cast %max3A_62 : vector<16xi32> to vector<16x1xi32>
      %gather3A_213 = vector.shape_cast %broadcast_in_dim3A_212 : vector<16x1xi32> to vector<16xi32>
      %gather3A_214 = tpu.dynamic_gather %get3A_207[%gather3A_213] in [0] : vector<16xf32>, vector<16xi32> -> vector<16xf32>
      %jit3A_215 = arith.constant 0xFF800000 : f32
      %broadcast_in_dim3A_216 = vector.broadcast %jit3A_215 : f32 to vector<16xf32>
      %select_n3A_217 = arith.select %eq3A_211, %gather3A_214, %broadcast_in_dim3A_216 : vector<16xi1>, vector<16xf32>
      %max3A_218 = arith.maximumf %get3A_207, %select_n3A_217 : vector<16xf32>
      %broadcast_in_dim3A_219 = vector.shape_cast %max3A_68 : vector<16xi32> to vector<16x1xi32>
      %gather3A_220 = vector.shape_cast %broadcast_in_dim3A_219 : vector<16x1xi32> to vector<16xi32>
      %gather3A_221 = tpu.dynamic_gather %get3A_205[%gather3A_220] in [0] : vector<16xi32>, vector<16xi32> -> vector<16xi32>
      %eq3A_222 = arith.cmpi eq, %gather3A_221, %get3A_205 : vector<16xi32>
      %broadcast_in_dim3A_223 = vector.shape_cast %max3A_68 : vector<16xi32> to vector<16x1xi32>
      %gather3A_224 = vector.shape_cast %broadcast_in_dim3A_223 : vector<16x1xi32> to vector<16xi32>
      %gather3A_225 = tpu.dynamic_gather %max3A_218[%gather3A_224] in [0] : vector<16xf32>, vector<16xi32> -> vector<16xf32>
      %jit3A_226 = arith.constant 0xFF800000 : f32
      %broadcast_in_dim3A_227 = vector.broadcast %jit3A_226 : f32 to vector<16xf32>
      %select_n3A_228 = arith.select %eq3A_222, %gather3A_225, %broadcast_in_dim3A_227 : vector<16xi1>, vector<16xf32>
      %max3A_229 = arith.maximumf %max3A_218, %select_n3A_228 : vector<16xf32>
      %broadcast_in_dim3A_230 = vector.shape_cast %max3A_74 : vector<16xi32> to vector<16x1xi32>
      %gather3A_231 = vector.shape_cast %broadcast_in_dim3A_230 : vector<16x1xi32> to vector<16xi32>
      %gather3A_232 = tpu.dynamic_gather %get3A_205[%gather3A_231] in [0] : vector<16xi32>, vector<16xi32> -> vector<16xi32>
      %eq3A_233 = arith.cmpi eq, %gather3A_232, %get3A_205 : vector<16xi32>
      %broadcast_in_dim3A_234 = vector.shape_cast %max3A_74 : vector<16xi32> to vector<16x1xi32>
      %gather3A_235 = vector.shape_cast %broadcast_in_dim3A_234 : vector<16x1xi32> to vector<16xi32>
      %gather3A_236 = tpu.dynamic_gather %max3A_229[%gather3A_235] in [0] : vector<16xf32>, vector<16xi32> -> vector<16xf32>
      %jit3A_237 = arith.constant 0xFF800000 : f32
      %broadcast_in_dim3A_238 = vector.broadcast %jit3A_237 : f32 to vector<16xf32>
      %select_n3A_239 = arith.select %eq3A_233, %gather3A_236, %broadcast_in_dim3A_238 : vector<16xi1>, vector<16xf32>
      %max3A_240 = arith.maximumf %max3A_229, %select_n3A_239 : vector<16xf32>
      %broadcast_in_dim3A_241 = vector.shape_cast %max3A_80 : vector<16xi32> to vector<16x1xi32>
      %gather3A_242 = vector.shape_cast %broadcast_in_dim3A_241 : vector<16x1xi32> to vector<16xi32>
      %gather3A_243 = tpu.dynamic_gather %get3A_205[%gather3A_242] in [0] : vector<16xi32>, vector<16xi32> -> vector<16xi32>
      %eq3A_244 = arith.cmpi eq, %gather3A_243, %get3A_205 : vector<16xi32>
      %broadcast_in_dim3A_245 = vector.shape_cast %max3A_80 : vector<16xi32> to vector<16x1xi32>
      %gather3A_246 = vector.shape_cast %broadcast_in_dim3A_245 : vector<16x1xi32> to vector<16xi32>
      %gather3A_247 = tpu.dynamic_gather %max3A_240[%gather3A_246] in [0] : vector<16xf32>, vector<16xi32> -> vector<16xf32>
      %jit3A_248 = arith.constant 0xFF800000 : f32
      %broadcast_in_dim3A_249 = vector.broadcast %jit3A_248 : f32 to vector<16xf32>
      %select_n3A_250 = arith.select %eq3A_244, %gather3A_247, %broadcast_in_dim3A_249 : vector<16xi1>, vector<16xf32>
      %max3A_251 = arith.maximumf %max3A_240, %select_n3A_250 : vector<16xf32>
      %broadcast_in_dim3A_252 = vector.shape_cast %min3A_85 : vector<16xi32> to vector<16x1xi32>
      %gather3A_253 = vector.shape_cast %broadcast_in_dim3A_252 : vector<16x1xi32> to vector<16xi32>
      %gather3A_254 = tpu.dynamic_gather %get3A_205[%gather3A_253] in [0] : vector<16xi32>, vector<16xi32> -> vector<16xi32>
      %ne3A_255 = arith.cmpi ne, %get3A_205, %gather3A_254 : vector<16xi32>
      %eq3A_256 = arith.constant 15 : i32
      %eq3A_257 = vector.broadcast %eq3A_256 : i32 to vector<16xi32>
      %eq3A_258 = arith.cmpi eq, %iota3A, %eq3A_257 : vector<16xi32>
      %or3A_259 = arith.ori %ne3A_255, %eq3A_258 : vector<16xi1>
      %gather3A_260 = tpu.vector_load_idx %arg11[%get3A_149] : memref<256xf32, #tpu.memory_space<vmem>>[vector<16xi32>], vector<16xf32>,
      %max3A_261 = arith.maximumf %gather3A_260, %max3A_194 : vector<16xf32>
      tpu.vector_store_idx %arg11[%get3A_149], %max3A_261 masked %or3A : memref<256xf32, #tpu.memory_space<vmem>>[vector<16xi32>], vector<16xf32>, vector<16xi1>
      %gather3A_262 = tpu.vector_load_idx %arg11[%get3A_205] : memref<256xf32, #tpu.memory_space<vmem>>[vector<16xi32>], vector<16xf32>,
      %max3A_263 = arith.maximumf %gather3A_262, %max3A_251 : vector<16xf32>
      tpu.vector_store_idx %arg11[%get3A_205], %max3A_263 masked %or3A_259 : memref<256xf32, #tpu.memory_space<vmem>>[vector<16xi32>], vector<16xf32>, vector<16xi1>
    }
    %while3A_112 = arith.constant 1 : i32
    scf.for %while3A_146 = %while3A_110 to %while3A_106 step %while3A_112  : i32 {
      %mul3A_147 = arith.constant 32 : i32
      %mul3A_148 = arith.muli %while3A_146, %mul3A_147 : i32
      %multiple_of3A = tpu.assume_multiple %mul3A_148, 16 : i32
      %get3A = arith.index_cast %multiple_of3A : i32 to index
      %get3A_149 = tpu.vector_load %arg10[%get3A] {strides = array<i32>} : memref<3136xi32, #tpu.memory_space<vmem>>, vector<16xi32>,
      %get3A_150 = arith.index_cast %multiple_of3A : i32 to index
      %get3A_151 = tpu.vector_load %arg8[%get3A_150] {strides = array<i32>} : memref<3136xf32, #tpu.memory_space<vmem>>, vector<16xf32>,
      %broadcast_in_dim3A_152 = vector.shape_cast %max3A_62 : vector<16xi32> to vector<16x1xi32>
      %gather3A = vector.shape_cast %broadcast_in_dim3A_152 : vector<16x1xi32> to vector<16xi32>
      %gather3A_153 = tpu.dynamic_gather %get3A_149[%gather3A] in [0] : vector<16xi32>, vector<16xi32> -> vector<16xi32>
      %eq3A_154 = arith.cmpi eq, %gather3A_153, %get3A_149 : vector<16xi32>
      %broadcast_in_dim3A_155 = vector.shape_cast %max3A_62 : vector<16xi32> to vector<16x1xi32>
      %gather3A_156 = vector.shape_cast %broadcast_in_dim3A_155 : vector<16x1xi32> to vector<16xi32>
      %gather3A_157 = tpu.dynamic_gather %get3A_151[%gather3A_156] in [0] : vector<16xf32>, vector<16xi32> -> vector<16xf32>
      %jit3A_158 = arith.constant 0xFF800000 : f32
      %broadcast_in_dim3A_159 = vector.broadcast %jit3A_158 : f32 to vector<16xf32>
      %select_n3A_160 = arith.select %eq3A_154, %gather3A_157, %broadcast_in_dim3A_159 : vector<16xi1>, vector<16xf32>
      %max3A_161 = arith.maximumf %get3A_151, %select_n3A_160 : vector<16xf32>
      %broadcast_in_dim3A_162 = vector.shape_cast %max3A_68 : vector<16xi32> to vector<16x1xi32>
      %gather3A_163 = vector.shape_cast %broadcast_in_dim3A_162 : vector<16x1xi32> to vector<16xi32>
      %gather3A_164 = tpu.dynamic_gather %get3A_149[%gather3A_163] in [0] : vector<16xi32>, vector<16xi32> -> vector<16xi32>
      %eq3A_165 = arith.cmpi eq, %gather3A_164, %get3A_149 : vector<16xi32>
      %broadcast_in_dim3A_166 = vector.shape_cast %max3A_68 : vector<16xi32> to vector<16x1xi32>
      %gather3A_167 = vector.shape_cast %broadcast_in_dim3A_166 : vector<16x1xi32> to vector<16xi32>
      %gather3A_168 = tpu.dynamic_gather %max3A_161[%gather3A_167] in [0] : vector<16xf32>, vector<16xi32> -> vector<16xf32>
      %jit3A_169 = arith.constant 0xFF800000 : f32
      %broadcast_in_dim3A_170 = vector.broadcast %jit3A_169 : f32 to vector<16xf32>
      %select_n3A_171 = arith.select %eq3A_165, %gather3A_168, %broadcast_in_dim3A_170 : vector<16xi1>, vector<16xf32>
      %max3A_172 = arith.maximumf %max3A_161, %select_n3A_171 : vector<16xf32>
      %broadcast_in_dim3A_173 = vector.shape_cast %max3A_74 : vector<16xi32> to vector<16x1xi32>
      %gather3A_174 = vector.shape_cast %broadcast_in_dim3A_173 : vector<16x1xi32> to vector<16xi32>
      %gather3A_175 = tpu.dynamic_gather %get3A_149[%gather3A_174] in [0] : vector<16xi32>, vector<16xi32> -> vector<16xi32>
      %eq3A_176 = arith.cmpi eq, %gather3A_175, %get3A_149 : vector<16xi32>
      %broadcast_in_dim3A_177 = vector.shape_cast %max3A_74 : vector<16xi32> to vector<16x1xi32>
      %gather3A_178 = vector.shape_cast %broadcast_in_dim3A_177 : vector<16x1xi32> to vector<16xi32>
      %gather3A_179 = tpu.dynamic_gather %max3A_172[%gather3A_178] in [0] : vector<16xf32>, vector<16xi32> -> vector<16xf32>
      %jit3A_180 = arith.constant 0xFF800000 : f32
      %broadcast_in_dim3A_181 = vector.broadcast %jit3A_180 : f32 to vector<16xf32>
      %select_n3A_182 = arith.select %eq3A_176, %gather3A_179, %broadcast_in_dim3A_181 : vector<16xi1>, vector<16xf32>
      %max3A_183 = arith.maximumf %max3A_172, %select_n3A_182 : vector<16xf32>
      %broadcast_in_dim3A_184 = vector.shape_cast %max3A_80 : vector<16xi32> to vector<16x1xi32>
      %gather3A_185 = vector.shape_cast %broadcast_in_dim3A_184 : vector<16x1xi32> to vector<16xi32>
      %gather3A_186 = tpu.dynamic_gather %get3A_149[%gather3A_185] in [0] : vector<16xi32>, vector<16xi32> -> vector<16xi32>
      %eq3A_187 = arith.cmpi eq, %gather3A_186, %get3A_149 : vector<16xi32>
      %broadcast_in_dim3A_188 = vector.shape_cast %max3A_80 : vector<16xi32> to vector<16x1xi32>
      %gather3A_189 = vector.shape_cast %broadcast_in_dim3A_188 : vector<16x1xi32> to vector<16xi32>
      %gather3A_190 = tpu.dynamic_gather %max3A_183[%gather3A_189] in [0] : vector<16xf32>, vector<16xi32> -> vector<16xf32>
      %jit3A_191 = arith.constant 0xFF800000 : f32
      %broadcast_in_dim3A_192 = vector.broadcast %jit3A_191 : f32 to vector<16xf32>
      %select_n3A_193 = arith.select %eq3A_187, %gather3A_190, %broadcast_in_dim3A_192 : vector<16xi1>, vector<16xf32>
      %max3A_194 = arith.maximumf %max3A_183, %select_n3A_193 : vector<16xf32>
      %broadcast_in_dim3A_195 = vector.shape_cast %min3A_85 : vector<16xi32> to vector<16x1xi32>
      %gather3A_196 = vector.shape_cast %broadcast_in_dim3A_195 : vector<16x1xi32> to vector<16xi32>
      %gather3A_197 = tpu.dynamic_gather %get3A_149[%gather3A_196] in [0] : vector<16xi32>, vector<16xi32> -> vector<16xi32>
      %ne3A_198 = arith.cmpi ne, %get3A_149, %gather3A_197 : vector<16xi32>
      %eq3A_199 = arith.constant 15 : i32
      %eq3A_200 = vector.broadcast %eq3A_199 : i32 to vector<16xi32>
      %eq3A_201 = arith.cmpi eq, %iota3A, %eq3A_200 : vector<16xi32>
      %or3A = arith.ori %ne3A_198, %eq3A_201 : vector<16xi1>
      %add3A_202 = arith.constant 16 : i32
      %add3A_203 = arith.addi %multiple_of3A, %add3A_202 : i32
      %get3A_204 = arith.index_cast %add3A_203 : i32 to index
      %get3A_205 = tpu.vector_load %arg10[%get3A_204] {strides = array<i32>} : memref<3136xi32, #tpu.memory_space<vmem>>, vector<16xi32>,
      %get3A_206 = arith.index_cast %add3A_203 : i32 to index
      %get3A_207 = tpu.vector_load %arg8[%get3A_206] {strides = array<i32>} : memref<3136xf32, #tpu.memory_space<vmem>>, vector<16xf32>,
      %broadcast_in_dim3A_208 = vector.shape_cast %max3A_62 : vector<16xi32> to vector<16x1xi32>
      %gather3A_209 = vector.shape_cast %broadcast_in_dim3A_208 : vector<16x1xi32> to vector<16xi32>
      %gather3A_210 = tpu.dynamic_gather %get3A_205[%gather3A_209] in [0] : vector<16xi32>, vector<16xi32> -> vector<16xi32>
      %eq3A_211 = arith.cmpi eq, %gather3A_210, %get3A_205 : vector<16xi32>
      %broadcast_in_dim3A_212 = vector.shape_cast %max3A_62 : vector<16xi32> to vector<16x1xi32>
      %gather3A_213 = vector.shape_cast %broadcast_in_dim3A_212 : vector<16x1xi32> to vector<16xi32>
      %gather3A_214 = tpu.dynamic_gather %get3A_207[%gather3A_213] in [0] : vector<16xf32>, vector<16xi32> -> vector<16xf32>
      %jit3A_215 = arith.constant 0xFF800000 : f32
      %broadcast_in_dim3A_216 = vector.broadcast %jit3A_215 : f32 to vector<16xf32>
      %select_n3A_217 = arith.select %eq3A_211, %gather3A_214, %broadcast_in_dim3A_216 : vector<16xi1>, vector<16xf32>
      %max3A_218 = arith.maximumf %get3A_207, %select_n3A_217 : vector<16xf32>
      %broadcast_in_dim3A_219 = vector.shape_cast %max3A_68 : vector<16xi32> to vector<16x1xi32>
      %gather3A_220 = vector.shape_cast %broadcast_in_dim3A_219 : vector<16x1xi32> to vector<16xi32>
      %gather3A_221 = tpu.dynamic_gather %get3A_205[%gather3A_220] in [0] : vector<16xi32>, vector<16xi32> -> vector<16xi32>
      %eq3A_222 = arith.cmpi eq, %gather3A_221, %get3A_205 : vector<16xi32>
      %broadcast_in_dim3A_223 = vector.shape_cast %max3A_68 : vector<16xi32> to vector<16x1xi32>
      %gather3A_224 = vector.shape_cast %broadcast_in_dim3A_223 : vector<16x1xi32> to vector<16xi32>
      %gather3A_225 = tpu.dynamic_gather %max3A_218[%gather3A_224] in [0] : vector<16xf32>, vector<16xi32> -> vector<16xf32>
      %jit3A_226 = arith.constant 0xFF800000 : f32
      %broadcast_in_dim3A_227 = vector.broadcast %jit3A_226 : f32 to vector<16xf32>
      %select_n3A_228 = arith.select %eq3A_222, %gather3A_225, %broadcast_in_dim3A_227 : vector<16xi1>, vector<16xf32>
      %max3A_229 = arith.maximumf %max3A_218, %select_n3A_228 : vector<16xf32>
      %broadcast_in_dim3A_230 = vector.shape_cast %max3A_74 : vector<16xi32> to vector<16x1xi32>
      %gather3A_231 = vector.shape_cast %broadcast_in_dim3A_230 : vector<16x1xi32> to vector<16xi32>
      %gather3A_232 = tpu.dynamic_gather %get3A_205[%gather3A_231] in [0] : vector<16xi32>, vector<16xi32> -> vector<16xi32>
      %eq3A_233 = arith.cmpi eq, %gather3A_232, %get3A_205 : vector<16xi32>
      %broadcast_in_dim3A_234 = vector.shape_cast %max3A_74 : vector<16xi32> to vector<16x1xi32>
      %gather3A_235 = vector.shape_cast %broadcast_in_dim3A_234 : vector<16x1xi32> to vector<16xi32>
      %gather3A_236 = tpu.dynamic_gather %max3A_229[%gather3A_235] in [0] : vector<16xf32>, vector<16xi32> -> vector<16xf32>
      %jit3A_237 = arith.constant 0xFF800000 : f32
      %broadcast_in_dim3A_238 = vector.broadcast %jit3A_237 : f32 to vector<16xf32>
      %select_n3A_239 = arith.select %eq3A_233, %gather3A_236, %broadcast_in_dim3A_238 : vector<16xi1>, vector<16xf32>
      %max3A_240 = arith.maximumf %max3A_229, %select_n3A_239 : vector<16xf32>
      %broadcast_in_dim3A_241 = vector.shape_cast %max3A_80 : vector<16xi32> to vector<16x1xi32>
      %gather3A_242 = vector.shape_cast %broadcast_in_dim3A_241 : vector<16x1xi32> to vector<16xi32>
      %gather3A_243 = tpu.dynamic_gather %get3A_205[%gather3A_242] in [0] : vector<16xi32>, vector<16xi32> -> vector<16xi32>
      %eq3A_244 = arith.cmpi eq, %gather3A_243, %get3A_205 : vector<16xi32>
      %broadcast_in_dim3A_245 = vector.shape_cast %max3A_80 : vector<16xi32> to vector<16x1xi32>
      %gather3A_246 = vector.shape_cast %broadcast_in_dim3A_245 : vector<16x1xi32> to vector<16xi32>
      %gather3A_247 = tpu.dynamic_gather %max3A_240[%gather3A_246] in [0] : vector<16xf32>, vector<16xi32> -> vector<16xf32>
      %jit3A_248 = arith.constant 0xFF800000 : f32
      %broadcast_in_dim3A_249 = vector.broadcast %jit3A_248 : f32 to vector<16xf32>
      %select_n3A_250 = arith.select %eq3A_244, %gather3A_247, %broadcast_in_dim3A_249 : vector<16xi1>, vector<16xf32>
      %max3A_251 = arith.maximumf %max3A_240, %select_n3A_250 : vector<16xf32>
      %broadcast_in_dim3A_252 = vector.shape_cast %min3A_85 : vector<16xi32> to vector<16x1xi32>
      %gather3A_253 = vector.shape_cast %broadcast_in_dim3A_252 : vector<16x1xi32> to vector<16xi32>
      %gather3A_254 = tpu.dynamic_gather %get3A_205[%gather3A_253] in [0] : vector<16xi32>, vector<16xi32> -> vector<16xi32>
      %ne3A_255 = arith.cmpi ne, %get3A_205, %gather3A_254 : vector<16xi32>
      %eq3A_256 = arith.constant 15 : i32
      %eq3A_257 = vector.broadcast %eq3A_256 : i32 to vector<16xi32>
      %eq3A_258 = arith.cmpi eq, %iota3A, %eq3A_257 : vector<16xi32>
      %or3A_259 = arith.ori %ne3A_255, %eq3A_258 : vector<16xi1>
      %gather3A_260 = tpu.vector_load_idx %arg11[%get3A_149] : memref<256xf32, #tpu.memory_space<vmem>>[vector<16xi32>], vector<16xf32>,
      %max3A_261 = arith.maximumf %gather3A_260, %max3A_194 : vector<16xf32>
      tpu.vector_store_idx %arg11[%get3A_149], %max3A_261 masked %or3A : memref<256xf32, #tpu.memory_space<vmem>>[vector<16xi32>], vector<16xf32>, vector<16xi1>
      %gather3A_262 = tpu.vector_load_idx %arg11[%get3A_205] : memref<256xf32, #tpu.memory_space<vmem>>[vector<16xi32>], vector<16xf32>,
      %max3A_263 = arith.maximumf %gather3A_262, %max3A_251 : vector<16xf32>
      tpu.vector_store_idx %arg11[%get3A_205], %max3A_263 masked %or3A_259 : memref<256xf32, #tpu.memory_space<vmem>>[vector<16xi32>], vector<16xf32>, vector<16xi1>
    }
    %jit3A_113 = arith.constant 2 : i32
    %div3A_114 = arith.divsi %select_n3A, %jit3A_113 : i32
    %sign3A_115 = arith.constant 0 : i32
    %sign3A_116 = arith.cmpi sgt, %select_n3A, %sign3A_115 : i32
    %sign3A_117 = arith.extui %sign3A_116 : i1 to i32
    %sign3A_118 = arith.constant 0 : i32
    %sign3A_119 = arith.cmpi slt, %select_n3A, %sign3A_118 : i32
    %sign3A_120 = arith.extui %sign3A_119 : i1 to i32
    %sign3A_121 = arith.subi %sign3A_117, %sign3A_120 : i32
    %sign3A_122 = arith.constant 0 : i32
    %sign3A_123 = arith.cmpi sgt, %jit3A_113, %sign3A_122 : i32
    %sign3A_124 = arith.extui %sign3A_123 : i1 to i32
    %sign3A_125 = arith.constant 0 : i32
    %sign3A_126 = arith.cmpi slt, %jit3A_113, %sign3A_125 : i32
    %sign3A_127 = arith.extui %sign3A_126 : i1 to i32
    %sign3A_128 = arith.subi %sign3A_124, %sign3A_127 : i32
    %ne3A_129 = arith.cmpi ne, %sign3A_121, %sign3A_128 : i32
    %rem3A_130 = arith.remsi %select_n3A, %jit3A_113 : i32
    %ne3A_131 = arith.constant 0 : i32
    %ne3A_132 = arith.cmpi ne, %rem3A_130, %ne3A_131 : i32
    %and3A_133 = arith.andi %ne3A_129, %ne3A_132 : i1
    %sub3A_134 = arith.constant 1 : i32
    %sub3A_135 = arith.subi %div3A_114, %sub3A_134 : i32
    %select_n3A_136 = arith.select %and3A_133, %sub3A_135, %div3A_114 : i32
    %while3A_137 = arith.constant 0 : i32
    %while3A_138 = arith.subi %select_n3A_136, %while3A_137 : i32
    %while3A_139 = arith.addi %while3A_137, %while3A_138 : i32
    %while3A_140 = arith.constant 1 : i32
    %while3A_141 = arith.divsi %while3A_138, %while3A_140 : i32
    %while3A_142 = arith.muli %while3A_141, %while3A_140 : i32
    %while3A_143 = arith.addi %while3A_137, %while3A_142 : i32
    %while3A_144 = arith.constant 1 : i32
    scf.for %while3A_146 = %while3A_137 to %while3A_143 step %while3A_144  : i32 {
      %mul3A_147 = arith.constant 32 : i32
      %mul3A_148 = arith.muli %while3A_146, %mul3A_147 : i32
      %multiple_of3A = tpu.assume_multiple %mul3A_148, 16 : i32
      %get3A = arith.index_cast %multiple_of3A : i32 to index
      %get3A_149 = tpu.vector_load %arg10[%get3A] {strides = array<i32>} : memref<3136xi32, #tpu.memory_space<vmem>>, vector<16xi32>,
      %get3A_150 = arith.index_cast %multiple_of3A : i32 to index
      %get3A_151 = tpu.vector_load %arg8[%get3A_150] {strides = array<i32>} : memref<3136xf32, #tpu.memory_space<vmem>>, vector<16xf32>,
      %get3A_152 = arith.index_cast %multiple_of3A : i32 to index
      %get3A_153 = tpu.vector_load %arg9[%get3A_152] {strides = array<i32>} : memref<3136xf32, #tpu.memory_space<vmem>>, vector<16xf32>,
      %gather3A = tpu.vector_load_idx %arg11[%get3A_149] : memref<256xf32, #tpu.memory_space<vmem>>[vector<16xi32>], vector<16xf32>,
      %sub3A_154 = arith.subf %get3A_151, %gather3A : vector<16xf32>
      %exp3A = math.exp %sub3A_154 : vector<16xf32>
      %mul3A_155 = arith.mulf %exp3A, %get3A_153 : vector<16xf32>
      %broadcast_in_dim3A_156 = vector.shape_cast %max3A_62 : vector<16xi32> to vector<16x1xi32>
      %gather3A_157 = vector.shape_cast %broadcast_in_dim3A_156 : vector<16x1xi32> to vector<16xi32>
      %gather3A_158 = tpu.dynamic_gather %get3A_149[%gather3A_157] in [0] : vector<16xi32>, vector<16xi32> -> vector<16xi32>
      %eq3A_159 = arith.cmpi eq, %gather3A_158, %get3A_149 : vector<16xi32>
      %ge3A = arith.constant 1 : i32
      %ge3A_160 = vector.broadcast %ge3A : i32 to vector<16xi32>
      %ge3A_161 = arith.cmpi sge, %iota3A, %ge3A_160 : vector<16xi32>
      %and3A_162 = arith.andi %eq3A_159, %ge3A_161 : vector<16xi1>
      %broadcast_in_dim3A_163 = vector.shape_cast %max3A_68 : vector<16xi32> to vector<16x1xi32>
      %gather3A_164 = vector.shape_cast %broadcast_in_dim3A_163 : vector<16x1xi32> to vector<16xi32>
      %gather3A_165 = tpu.dynamic_gather %get3A_149[%gather3A_164] in [0] : vector<16xi32>, vector<16xi32> -> vector<16xi32>
      %eq3A_166 = arith.cmpi eq, %gather3A_165, %get3A_149 : vector<16xi32>
      %ge3A_167 = arith.constant 2 : i32
      %ge3A_168 = vector.broadcast %ge3A_167 : i32 to vector<16xi32>
      %ge3A_169 = arith.cmpi sge, %iota3A, %ge3A_168 : vector<16xi32>
      %and3A_170 = arith.andi %eq3A_166, %ge3A_169 : vector<16xi1>
      %broadcast_in_dim3A_171 = vector.shape_cast %max3A_74 : vector<16xi32> to vector<16x1xi32>
      %gather3A_172 = vector.shape_cast %broadcast_in_dim3A_171 : vector<16x1xi32> to vector<16xi32>
      %gather3A_173 = tpu.dynamic_gather %get3A_149[%gather3A_172] in [0] : vector<16xi32>, vector<16xi32> -> vector<16xi32>
      %eq3A_174 = arith.cmpi eq, %gather3A_173, %get3A_149 : vector<16xi32>
      %ge3A_175 = arith.constant 4 : i32
      %ge3A_176 = vector.broadcast %ge3A_175 : i32 to vector<16xi32>
      %ge3A_177 = arith.cmpi sge, %iota3A, %ge3A_176 : vector<16xi32>
      %and3A_178 = arith.andi %eq3A_174, %ge3A_177 : vector<16xi1>
      %broadcast_in_dim3A_179 = vector.shape_cast %max3A_80 : vector<16xi32> to vector<16x1xi32>
      %gather3A_180 = vector.shape_cast %broadcast_in_dim3A_179 : vector<16x1xi32> to vector<16xi32>
      %gather3A_181 = tpu.dynamic_gather %get3A_149[%gather3A_180] in [0] : vector<16xi32>, vector<16xi32> -> vector<16xi32>
      %eq3A_182 = arith.cmpi eq, %gather3A_181, %get3A_149 : vector<16xi32>
      %ge3A_183 = arith.constant 8 : i32
      %ge3A_184 = vector.broadcast %ge3A_183 : i32 to vector<16xi32>
      %ge3A_185 = arith.cmpi sge, %iota3A, %ge3A_184 : vector<16xi32>
      %and3A_186 = arith.andi %eq3A_182, %ge3A_185 : vector<16xi1>
      %broadcast_in_dim3A_187 = vector.shape_cast %min3A_85 : vector<16xi32> to vector<16x1xi32>
      %gather3A_188 = vector.shape_cast %broadcast_in_dim3A_187 : vector<16x1xi32> to vector<16xi32>
      %gather3A_189 = tpu.dynamic_gather %get3A_149[%gather3A_188] in [0] : vector<16xi32>, vector<16xi32> -> vector<16xi32>
      %ne3A_190 = arith.cmpi ne, %get3A_149, %gather3A_189 : vector<16xi32>
      %eq3A_191 = arith.constant 15 : i32
      %eq3A_192 = vector.broadcast %eq3A_191 : i32 to vector<16xi32>
      %eq3A_193 = arith.cmpi eq, %iota3A, %eq3A_192 : vector<16xi32>
      %or3A = arith.ori %ne3A_190, %eq3A_193 : vector<16xi1>
      %broadcast_in_dim3A_194 = vector.shape_cast %max3A_62 : vector<16xi32> to vector<16x1xi32>
      %gather3A_195 = vector.shape_cast %broadcast_in_dim3A_194 : vector<16x1xi32> to vector<16xi32>
      %gather3A_196 = tpu.dynamic_gather %exp3A[%gather3A_195] in [0] : vector<16xf32>, vector<16xi32> -> vector<16xf32>
      %jit3A_197 = arith.constant 0.000000e+00 : f32
      %broadcast_in_dim3A_198 = vector.broadcast %jit3A_197 : f32 to vector<16xf32>
      %select_n3A_199 = arith.select %and3A_162, %gather3A_196, %broadcast_in_dim3A_198 : vector<16xi1>, vector<16xf32>
      %add3A_200 = arith.addf %exp3A, %select_n3A_199 : vector<16xf32>
      %broadcast_in_dim3A_201 = vector.shape_cast %max3A_62 : vector<16xi32> to vector<16x1xi32>
      %gather3A_202 = vector.shape_cast %broadcast_in_dim3A_201 : vector<16x1xi32> to vector<16xi32>
      %gather3A_203 = tpu.dynamic_gather %mul3A_155[%gather3A_202] in [0] : vector<16xf32>, vector<16xi32> -> vector<16xf32>
      %jit3A_204 = arith.constant 0.000000e+00 : f32
      %broadcast_in_dim3A_205 = vector.broadcast %jit3A_204 : f32 to vector<16xf32>
      %select_n3A_206 = arith.select %and3A_162, %gather3A_203, %broadcast_in_dim3A_205 : vector<16xi1>, vector<16xf32>
      %add3A_207 = arith.addf %mul3A_155, %select_n3A_206 : vector<16xf32>
      %broadcast_in_dim3A_208 = vector.shape_cast %max3A_68 : vector<16xi32> to vector<16x1xi32>
      %gather3A_209 = vector.shape_cast %broadcast_in_dim3A_208 : vector<16x1xi32> to vector<16xi32>
      %gather3A_210 = tpu.dynamic_gather %add3A_200[%gather3A_209] in [0] : vector<16xf32>, vector<16xi32> -> vector<16xf32>
      %jit3A_211 = arith.constant 0.000000e+00 : f32
      %broadcast_in_dim3A_212 = vector.broadcast %jit3A_211 : f32 to vector<16xf32>
      %select_n3A_213 = arith.select %and3A_170, %gather3A_210, %broadcast_in_dim3A_212 : vector<16xi1>, vector<16xf32>
      %add3A_214 = arith.addf %add3A_200, %select_n3A_213 : vector<16xf32>
      %broadcast_in_dim3A_215 = vector.shape_cast %max3A_68 : vector<16xi32> to vector<16x1xi32>
      %gather3A_216 = vector.shape_cast %broadcast_in_dim3A_215 : vector<16x1xi32> to vector<16xi32>
      %gather3A_217 = tpu.dynamic_gather %add3A_207[%gather3A_216] in [0] : vector<16xf32>, vector<16xi32> -> vector<16xf32>
      %jit3A_218 = arith.constant 0.000000e+00 : f32
      %broadcast_in_dim3A_219 = vector.broadcast %jit3A_218 : f32 to vector<16xf32>
      %select_n3A_220 = arith.select %and3A_170, %gather3A_217, %broadcast_in_dim3A_219 : vector<16xi1>, vector<16xf32>
      %add3A_221 = arith.addf %add3A_207, %select_n3A_220 : vector<16xf32>
      %broadcast_in_dim3A_222 = vector.shape_cast %max3A_74 : vector<16xi32> to vector<16x1xi32>
      %gather3A_223 = vector.shape_cast %broadcast_in_dim3A_222 : vector<16x1xi32> to vector<16xi32>
      %gather3A_224 = tpu.dynamic_gather %add3A_214[%gather3A_223] in [0] : vector<16xf32>, vector<16xi32> -> vector<16xf32>
      %jit3A_225 = arith.constant 0.000000e+00 : f32
      %broadcast_in_dim3A_226 = vector.broadcast %jit3A_225 : f32 to vector<16xf32>
      %select_n3A_227 = arith.select %and3A_178, %gather3A_224, %broadcast_in_dim3A_226 : vector<16xi1>, vector<16xf32>
      %add3A_228 = arith.addf %add3A_214, %select_n3A_227 : vector<16xf32>
      %broadcast_in_dim3A_229 = vector.shape_cast %max3A_74 : vector<16xi32> to vector<16x1xi32>
      %gather3A_230 = vector.shape_cast %broadcast_in_dim3A_229 : vector<16x1xi32> to vector<16xi32>
      %gather3A_231 = tpu.dynamic_gather %add3A_221[%gather3A_230] in [0] : vector<16xf32>, vector<16xi32> -> vector<16xf32>
      %jit3A_232 = arith.constant 0.000000e+00 : f32
      %broadcast_in_dim3A_233 = vector.broadcast %jit3A_232 : f32 to vector<16xf32>
      %select_n3A_234 = arith.select %and3A_178, %gather3A_231, %broadcast_in_dim3A_233 : vector<16xi1>, vector<16xf32>
      %add3A_235 = arith.addf %add3A_221, %select_n3A_234 : vector<16xf32>
      %broadcast_in_dim3A_236 = vector.shape_cast %max3A_80 : vector<16xi32> to vector<16x1xi32>
      %gather3A_237 = vector.shape_cast %broadcast_in_dim3A_236 : vector<16x1xi32> to vector<16xi32>
      %gather3A_238 = tpu.dynamic_gather %add3A_228[%gather3A_237] in [0] : vector<16xf32>, vector<16xi32> -> vector<16xf32>
      %jit3A_239 = arith.constant 0.000000e+00 : f32
      %broadcast_in_dim3A_240 = vector.broadcast %jit3A_239 : f32 to vector<16xf32>
      %select_n3A_241 = arith.select %and3A_186, %gather3A_238, %broadcast_in_dim3A_240 : vector<16xi1>, vector<16xf32>
      %add3A_242 = arith.addf %add3A_228, %select_n3A_241 : vector<16xf32>
      %broadcast_in_dim3A_243 = vector.shape_cast %max3A_80 : vector<16xi32> to vector<16x1xi32>
      %gather3A_244 = vector.shape_cast %broadcast_in_dim3A_243 : vector<16x1xi32> to vector<16xi32>
      %gather3A_245 = tpu.dynamic_gather %add3A_235[%gather3A_244] in [0] : vector<16xf32>, vector<16xi32> -> vector<16xf32>
      %jit3A_246 = arith.constant 0.000000e+00 : f32
      %broadcast_in_dim3A_247 = vector.broadcast %jit3A_246 : f32 to vector<16xf32>
      %select_n3A_248 = arith.select %and3A_186, %gather3A_245, %broadcast_in_dim3A_247 : vector<16xi1>, vector<16xf32>
      %add3A_249 = arith.addf %add3A_235, %select_n3A_248 : vector<16xf32>
      %add3A_250 = arith.constant 16 : i32
      %add3A_251 = arith.addi %multiple_of3A, %add3A_250 : i32
      %get3A_252 = arith.index_cast %add3A_251 : i32 to index
      %get3A_253 = tpu.vector_load %arg10[%get3A_252] {strides = array<i32>} : memref<3136xi32, #tpu.memory_space<vmem>>, vector<16xi32>,
      %get3A_254 = arith.index_cast %add3A_251 : i32 to index
      %get3A_255 = tpu.vector_load %arg8[%get3A_254] {strides = array<i32>} : memref<3136xf32, #tpu.memory_space<vmem>>, vector<16xf32>,
      %get3A_256 = arith.index_cast %add3A_251 : i32 to index
      %get3A_257 = tpu.vector_load %arg9[%get3A_256] {strides = array<i32>} : memref<3136xf32, #tpu.memory_space<vmem>>, vector<16xf32>,
      %gather3A_258 = tpu.vector_load_idx %arg11[%get3A_253] : memref<256xf32, #tpu.memory_space<vmem>>[vector<16xi32>], vector<16xf32>,
      %sub3A_259 = arith.subf %get3A_255, %gather3A_258 : vector<16xf32>
      %exp3A_260 = math.exp %sub3A_259 : vector<16xf32>
      %mul3A_261 = arith.mulf %exp3A_260, %get3A_257 : vector<16xf32>
      %broadcast_in_dim3A_262 = vector.shape_cast %max3A_62 : vector<16xi32> to vector<16x1xi32>
      %gather3A_263 = vector.shape_cast %broadcast_in_dim3A_262 : vector<16x1xi32> to vector<16xi32>
      %gather3A_264 = tpu.dynamic_gather %get3A_253[%gather3A_263] in [0] : vector<16xi32>, vector<16xi32> -> vector<16xi32>
      %eq3A_265 = arith.cmpi eq, %gather3A_264, %get3A_253 : vector<16xi32>
      %ge3A_266 = arith.constant 1 : i32
      %ge3A_267 = vector.broadcast %ge3A_266 : i32 to vector<16xi32>
      %ge3A_268 = arith.cmpi sge, %iota3A, %ge3A_267 : vector<16xi32>
      %and3A_269 = arith.andi %eq3A_265, %ge3A_268 : vector<16xi1>
      %broadcast_in_dim3A_270 = vector.shape_cast %max3A_68 : vector<16xi32> to vector<16x1xi32>
      %gather3A_271 = vector.shape_cast %broadcast_in_dim3A_270 : vector<16x1xi32> to vector<16xi32>
      %gather3A_272 = tpu.dynamic_gather %get3A_253[%gather3A_271] in [0] : vector<16xi32>, vector<16xi32> -> vector<16xi32>
      %eq3A_273 = arith.cmpi eq, %gather3A_272, %get3A_253 : vector<16xi32>
      %ge3A_274 = arith.constant 2 : i32
      %ge3A_275 = vector.broadcast %ge3A_274 : i32 to vector<16xi32>
      %ge3A_276 = arith.cmpi sge, %iota3A, %ge3A_275 : vector<16xi32>
      %and3A_277 = arith.andi %eq3A_273, %ge3A_276 : vector<16xi1>
      %broadcast_in_dim3A_278 = vector.shape_cast %max3A_74 : vector<16xi32> to vector<16x1xi32>
      %gather3A_279 = vector.shape_cast %broadcast_in_dim3A_278 : vector<16x1xi32> to vector<16xi32>
      %gather3A_280 = tpu.dynamic_gather %get3A_253[%gather3A_279] in [0] : vector<16xi32>, vector<16xi32> -> vector<16xi32>
      %eq3A_281 = arith.cmpi eq, %gather3A_280, %get3A_253 : vector<16xi32>
      %ge3A_282 = arith.constant 4 : i32
      %ge3A_283 = vector.broadcast %ge3A_282 : i32 to vector<16xi32>
      %ge3A_284 = arith.cmpi sge, %iota3A, %ge3A_283 : vector<16xi32>
      %and3A_285 = arith.andi %eq3A_281, %ge3A_284 : vector<16xi1>
      %broadcast_in_dim3A_286 = vector.shape_cast %max3A_80 : vector<16xi32> to vector<16x1xi32>
      %gather3A_287 = vector.shape_cast %broadcast_in_dim3A_286 : vector<16x1xi32> to vector<16xi32>
      %gather3A_288 = tpu.dynamic_gather %get3A_253[%gather3A_287] in [0] : vector<16xi32>, vector<16xi32> -> vector<16xi32>
      %eq3A_289 = arith.cmpi eq, %gather3A_288, %get3A_253 : vector<16xi32>
      %ge3A_290 = arith.constant 8 : i32
      %ge3A_291 = vector.broadcast %ge3A_290 : i32 to vector<16xi32>
      %ge3A_292 = arith.cmpi sge, %iota3A, %ge3A_291 : vector<16xi32>
      %and3A_293 = arith.andi %eq3A_289, %ge3A_292 : vector<16xi1>
      %broadcast_in_dim3A_294 = vector.shape_cast %min3A_85 : vector<16xi32> to vector<16x1xi32>
      %gather3A_295 = vector.shape_cast %broadcast_in_dim3A_294 : vector<16x1xi32> to vector<16xi32>
      %gather3A_296 = tpu.dynamic_gather %get3A_253[%gather3A_295] in [0] : vector<16xi32>, vector<16xi32> -> vector<16xi32>
      %ne3A_297 = arith.cmpi ne, %get3A_253, %gather3A_296 : vector<16xi32>
      %eq3A_298 = arith.constant 15 : i32
      %eq3A_299 = vector.broadcast %eq3A_298 : i32 to vector<16xi32>
      %eq3A_300 = arith.cmpi eq, %iota3A, %eq3A_299 : vector<16xi32>
      %or3A_301 = arith.ori %ne3A_297, %eq3A_300 : vector<16xi1>
      %broadcast_in_dim3A_302 = vector.shape_cast %max3A_62 : vector<16xi32> to vector<16x1xi32>
      %gather3A_303 = vector.shape_cast %broadcast_in_dim3A_302 : vector<16x1xi32> to vector<16xi32>
      %gather3A_304 = tpu.dynamic_gather %exp3A_260[%gather3A_303] in [0] : vector<16xf32>, vector<16xi32> -> vector<16xf32>
      %jit3A_305 = arith.constant 0.000000e+00 : f32
      %broadcast_in_dim3A_306 = vector.broadcast %jit3A_305 : f32 to vector<16xf32>
      %select_n3A_307 = arith.select %and3A_269, %gather3A_304, %broadcast_in_dim3A_306 : vector<16xi1>, vector<16xf32>
      %add3A_308 = arith.addf %exp3A_260, %select_n3A_307 : vector<16xf32>
      %broadcast_in_dim3A_309 = vector.shape_cast %max3A_62 : vector<16xi32> to vector<16x1xi32>
      %gather3A_310 = vector.shape_cast %broadcast_in_dim3A_309 : vector<16x1xi32> to vector<16xi32>
      %gather3A_311 = tpu.dynamic_gather %mul3A_261[%gather3A_310] in [0] : vector<16xf32>, vector<16xi32> -> vector<16xf32>
      %jit3A_312 = arith.constant 0.000000e+00 : f32
      %broadcast_in_dim3A_313 = vector.broadcast %jit3A_312 : f32 to vector<16xf32>
      %select_n3A_314 = arith.select %and3A_269, %gather3A_311, %broadcast_in_dim3A_313 : vector<16xi1>, vector<16xf32>
      %add3A_315 = arith.addf %mul3A_261, %select_n3A_314 : vector<16xf32>
      %broadcast_in_dim3A_316 = vector.shape_cast %max3A_68 : vector<16xi32> to vector<16x1xi32>
      %gather3A_317 = vector.shape_cast %broadcast_in_dim3A_316 : vector<16x1xi32> to vector<16xi32>
      %gather3A_318 = tpu.dynamic_gather %add3A_308[%gather3A_317] in [0] : vector<16xf32>, vector<16xi32> -> vector<16xf32>
      %jit3A_319 = arith.constant 0.000000e+00 : f32
      %broadcast_in_dim3A_320 = vector.broadcast %jit3A_319 : f32 to vector<16xf32>
      %select_n3A_321 = arith.select %and3A_277, %gather3A_318, %broadcast_in_dim3A_320 : vector<16xi1>, vector<16xf32>
      %add3A_322 = arith.addf %add3A_308, %select_n3A_321 : vector<16xf32>
      %broadcast_in_dim3A_323 = vector.shape_cast %max3A_68 : vector<16xi32> to vector<16x1xi32>
      %gather3A_324 = vector.shape_cast %broadcast_in_dim3A_323 : vector<16x1xi32> to vector<16xi32>
      %gather3A_325 = tpu.dynamic_gather %add3A_315[%gather3A_324] in [0] : vector<16xf32>, vector<16xi32> -> vector<16xf32>
      %jit3A_326 = arith.constant 0.000000e+00 : f32
      %broadcast_in_dim3A_327 = vector.broadcast %jit3A_326 : f32 to vector<16xf32>
      %select_n3A_328 = arith.select %and3A_277, %gather3A_325, %broadcast_in_dim3A_327 : vector<16xi1>, vector<16xf32>
      %add3A_329 = arith.addf %add3A_315, %select_n3A_328 : vector<16xf32>
      %broadcast_in_dim3A_330 = vector.shape_cast %max3A_74 : vector<16xi32> to vector<16x1xi32>
      %gather3A_331 = vector.shape_cast %broadcast_in_dim3A_330 : vector<16x1xi32> to vector<16xi32>
      %gather3A_332 = tpu.dynamic_gather %add3A_322[%gather3A_331] in [0] : vector<16xf32>, vector<16xi32> -> vector<16xf32>
      %jit3A_333 = arith.constant 0.000000e+00 : f32
      %broadcast_in_dim3A_334 = vector.broadcast %jit3A_333 : f32 to vector<16xf32>
      %select_n3A_335 = arith.select %and3A_285, %gather3A_332, %broadcast_in_dim3A_334 : vector<16xi1>, vector<16xf32>
      %add3A_336 = arith.addf %add3A_322, %select_n3A_335 : vector<16xf32>
      %broadcast_in_dim3A_337 = vector.shape_cast %max3A_74 : vector<16xi32> to vector<16x1xi32>
      %gather3A_338 = vector.shape_cast %broadcast_in_dim3A_337 : vector<16x1xi32> to vector<16xi32>
      %gather3A_339 = tpu.dynamic_gather %add3A_329[%gather3A_338] in [0] : vector<16xf32>, vector<16xi32> -> vector<16xf32>
      %jit3A_340 = arith.constant 0.000000e+00 : f32
      %broadcast_in_dim3A_341 = vector.broadcast %jit3A_340 : f32 to vector<16xf32>
      %select_n3A_342 = arith.select %and3A_285, %gather3A_339, %broadcast_in_dim3A_341 : vector<16xi1>, vector<16xf32>
      %add3A_343 = arith.addf %add3A_329, %select_n3A_342 : vector<16xf32>
      %broadcast_in_dim3A_344 = vector.shape_cast %max3A_80 : vector<16xi32> to vector<16x1xi32>
      %gather3A_345 = vector.shape_cast %broadcast_in_dim3A_344 : vector<16x1xi32> to vector<16xi32>
      %gather3A_346 = tpu.dynamic_gather %add3A_336[%gather3A_345] in [0] : vector<16xf32>, vector<16xi32> -> vector<16xf32>
      %jit3A_347 = arith.constant 0.000000e+00 : f32
      %broadcast_in_dim3A_348 = vector.broadcast %jit3A_347 : f32 to vector<16xf32>
      %select_n3A_349 = arith.select %and3A_293, %gather3A_346, %broadcast_in_dim3A_348 : vector<16xi1>, vector<16xf32>
      %add3A_350 = arith.addf %add3A_336, %select_n3A_349 : vector<16xf32>
      %broadcast_in_dim3A_351 = vector.shape_cast %max3A_80 : vector<16xi32> to vector<16x1xi32>
      %gather3A_352 = vector.shape_cast %broadcast_in_dim3A_351 : vector<16x1xi32> to vector<16xi32>
      %gather3A_353 = tpu.dynamic_gather %add3A_343[%gather3A_352] in [0] : vector<16xf32>, vector<16xi32> -> vector<16xf32>
      %jit3A_354 = arith.constant 0.000000e+00 : f32
      %broadcast_in_dim3A_355 = vector.broadcast %jit3A_354 : f32 to vector<16xf32>
      %select_n3A_356 = arith.select %and3A_293, %gather3A_353, %broadcast_in_dim3A_355 : vector<16xi1>, vector<16xf32>
      %add3A_357 = arith.addf %add3A_343, %select_n3A_356 : vector<16xf32>
      tpu.vector_store_idx %arg12[%get3A_149], %add3A_242 masked %or3A {add = true} : memref<256xf32, #tpu.memory_space<vmem>>[vector<16xi32>], vector<16xf32>, vector<16xi1>
      tpu.vector_store_idx %arg13[%get3A_149], %add3A_249 masked %or3A {add = true} : memref<256xf32, #tpu.memory_space<vmem>>[vector<16xi32>], vector<16xf32>, vector<16xi1>
      tpu.vector_store_idx %arg12[%get3A_253], %add3A_350 masked %or3A_301 {add = true} : memref<256xf32, #tpu.memory_space<vmem>>[vector<16xi32>], vector<16xf32>, vector<16xi1>
      tpu.vector_store_idx %arg13[%get3A_253], %add3A_357 masked %or3A_301 {add = true} : memref<256xf32, #tpu.memory_space<vmem>>[vector<16xi32>], vector<16xf32>, vector<16xi1>
    }
    %while3A_145 = arith.constant 1 : i32
    scf.for %while3A_146 = %while3A_143 to %while3A_139 step %while3A_145  : i32 {
      %mul3A_147 = arith.constant 32 : i32
      %mul3A_148 = arith.muli %while3A_146, %mul3A_147 : i32
      %multiple_of3A = tpu.assume_multiple %mul3A_148, 16 : i32
      %get3A = arith.index_cast %multiple_of3A : i32 to index
      %get3A_149 = tpu.vector_load %arg10[%get3A] {strides = array<i32>} : memref<3136xi32, #tpu.memory_space<vmem>>, vector<16xi32>,
      %get3A_150 = arith.index_cast %multiple_of3A : i32 to index
      %get3A_151 = tpu.vector_load %arg8[%get3A_150] {strides = array<i32>} : memref<3136xf32, #tpu.memory_space<vmem>>, vector<16xf32>,
      %get3A_152 = arith.index_cast %multiple_of3A : i32 to index
      %get3A_153 = tpu.vector_load %arg9[%get3A_152] {strides = array<i32>} : memref<3136xf32, #tpu.memory_space<vmem>>, vector<16xf32>,
      %gather3A = tpu.vector_load_idx %arg11[%get3A_149] : memref<256xf32, #tpu.memory_space<vmem>>[vector<16xi32>], vector<16xf32>,
      %sub3A_154 = arith.subf %get3A_151, %gather3A : vector<16xf32>
      %exp3A = math.exp %sub3A_154 : vector<16xf32>
      %mul3A_155 = arith.mulf %exp3A, %get3A_153 : vector<16xf32>
      %broadcast_in_dim3A_156 = vector.shape_cast %max3A_62 : vector<16xi32> to vector<16x1xi32>
      %gather3A_157 = vector.shape_cast %broadcast_in_dim3A_156 : vector<16x1xi32> to vector<16xi32>
      %gather3A_158 = tpu.dynamic_gather %get3A_149[%gather3A_157] in [0] : vector<16xi32>, vector<16xi32> -> vector<16xi32>
      %eq3A_159 = arith.cmpi eq, %gather3A_158, %get3A_149 : vector<16xi32>
      %ge3A = arith.constant 1 : i32
      %ge3A_160 = vector.broadcast %ge3A : i32 to vector<16xi32>
      %ge3A_161 = arith.cmpi sge, %iota3A, %ge3A_160 : vector<16xi32>
      %and3A_162 = arith.andi %eq3A_159, %ge3A_161 : vector<16xi1>
      %broadcast_in_dim3A_163 = vector.shape_cast %max3A_68 : vector<16xi32> to vector<16x1xi32>
      %gather3A_164 = vector.shape_cast %broadcast_in_dim3A_163 : vector<16x1xi32> to vector<16xi32>
      %gather3A_165 = tpu.dynamic_gather %get3A_149[%gather3A_164] in [0] : vector<16xi32>, vector<16xi32> -> vector<16xi32>
      %eq3A_166 = arith.cmpi eq, %gather3A_165, %get3A_149 : vector<16xi32>
      %ge3A_167 = arith.constant 2 : i32
      %ge3A_168 = vector.broadcast %ge3A_167 : i32 to vector<16xi32>
      %ge3A_169 = arith.cmpi sge, %iota3A, %ge3A_168 : vector<16xi32>
      %and3A_170 = arith.andi %eq3A_166, %ge3A_169 : vector<16xi1>
      %broadcast_in_dim3A_171 = vector.shape_cast %max3A_74 : vector<16xi32> to vector<16x1xi32>
      %gather3A_172 = vector.shape_cast %broadcast_in_dim3A_171 : vector<16x1xi32> to vector<16xi32>
      %gather3A_173 = tpu.dynamic_gather %get3A_149[%gather3A_172] in [0] : vector<16xi32>, vector<16xi32> -> vector<16xi32>
      %eq3A_174 = arith.cmpi eq, %gather3A_173, %get3A_149 : vector<16xi32>
      %ge3A_175 = arith.constant 4 : i32
      %ge3A_176 = vector.broadcast %ge3A_175 : i32 to vector<16xi32>
      %ge3A_177 = arith.cmpi sge, %iota3A, %ge3A_176 : vector<16xi32>
      %and3A_178 = arith.andi %eq3A_174, %ge3A_177 : vector<16xi1>
      %broadcast_in_dim3A_179 = vector.shape_cast %max3A_80 : vector<16xi32> to vector<16x1xi32>
      %gather3A_180 = vector.shape_cast %broadcast_in_dim3A_179 : vector<16x1xi32> to vector<16xi32>
      %gather3A_181 = tpu.dynamic_gather %get3A_149[%gather3A_180] in [0] : vector<16xi32>, vector<16xi32> -> vector<16xi32>
      %eq3A_182 = arith.cmpi eq, %gather3A_181, %get3A_149 : vector<16xi32>
      %ge3A_183 = arith.constant 8 : i32
      %ge3A_184 = vector.broadcast %ge3A_183 : i32 to vector<16xi32>
      %ge3A_185 = arith.cmpi sge, %iota3A, %ge3A_184 : vector<16xi32>
      %and3A_186 = arith.andi %eq3A_182, %ge3A_185 : vector<16xi1>
      %broadcast_in_dim3A_187 = vector.shape_cast %min3A_85 : vector<16xi32> to vector<16x1xi32>
      %gather3A_188 = vector.shape_cast %broadcast_in_dim3A_187 : vector<16x1xi32> to vector<16xi32>
      %gather3A_189 = tpu.dynamic_gather %get3A_149[%gather3A_188] in [0] : vector<16xi32>, vector<16xi32> -> vector<16xi32>
      %ne3A_190 = arith.cmpi ne, %get3A_149, %gather3A_189 : vector<16xi32>
      %eq3A_191 = arith.constant 15 : i32
      %eq3A_192 = vector.broadcast %eq3A_191 : i32 to vector<16xi32>
      %eq3A_193 = arith.cmpi eq, %iota3A, %eq3A_192 : vector<16xi32>
      %or3A = arith.ori %ne3A_190, %eq3A_193 : vector<16xi1>
      %broadcast_in_dim3A_194 = vector.shape_cast %max3A_62 : vector<16xi32> to vector<16x1xi32>
      %gather3A_195 = vector.shape_cast %broadcast_in_dim3A_194 : vector<16x1xi32> to vector<16xi32>
      %gather3A_196 = tpu.dynamic_gather %exp3A[%gather3A_195] in [0] : vector<16xf32>, vector<16xi32> -> vector<16xf32>
      %jit3A_197 = arith.constant 0.000000e+00 : f32
      %broadcast_in_dim3A_198 = vector.broadcast %jit3A_197 : f32 to vector<16xf32>
      %select_n3A_199 = arith.select %and3A_162, %gather3A_196, %broadcast_in_dim3A_198 : vector<16xi1>, vector<16xf32>
      %add3A_200 = arith.addf %exp3A, %select_n3A_199 : vector<16xf32>
      %broadcast_in_dim3A_201 = vector.shape_cast %max3A_62 : vector<16xi32> to vector<16x1xi32>
      %gather3A_202 = vector.shape_cast %broadcast_in_dim3A_201 : vector<16x1xi32> to vector<16xi32>
      %gather3A_203 = tpu.dynamic_gather %mul3A_155[%gather3A_202] in [0] : vector<16xf32>, vector<16xi32> -> vector<16xf32>
      %jit3A_204 = arith.constant 0.000000e+00 : f32
      %broadcast_in_dim3A_205 = vector.broadcast %jit3A_204 : f32 to vector<16xf32>
      %select_n3A_206 = arith.select %and3A_162, %gather3A_203, %broadcast_in_dim3A_205 : vector<16xi1>, vector<16xf32>
      %add3A_207 = arith.addf %mul3A_155, %select_n3A_206 : vector<16xf32>
      %broadcast_in_dim3A_208 = vector.shape_cast %max3A_68 : vector<16xi32> to vector<16x1xi32>
      %gather3A_209 = vector.shape_cast %broadcast_in_dim3A_208 : vector<16x1xi32> to vector<16xi32>
      %gather3A_210 = tpu.dynamic_gather %add3A_200[%gather3A_209] in [0] : vector<16xf32>, vector<16xi32> -> vector<16xf32>
      %jit3A_211 = arith.constant 0.000000e+00 : f32
      %broadcast_in_dim3A_212 = vector.broadcast %jit3A_211 : f32 to vector<16xf32>
      %select_n3A_213 = arith.select %and3A_170, %gather3A_210, %broadcast_in_dim3A_212 : vector<16xi1>, vector<16xf32>
      %add3A_214 = arith.addf %add3A_200, %select_n3A_213 : vector<16xf32>
      %broadcast_in_dim3A_215 = vector.shape_cast %max3A_68 : vector<16xi32> to vector<16x1xi32>
      %gather3A_216 = vector.shape_cast %broadcast_in_dim3A_215 : vector<16x1xi32> to vector<16xi32>
      %gather3A_217 = tpu.dynamic_gather %add3A_207[%gather3A_216] in [0] : vector<16xf32>, vector<16xi32> -> vector<16xf32>
      %jit3A_218 = arith.constant 0.000000e+00 : f32
      %broadcast_in_dim3A_219 = vector.broadcast %jit3A_218 : f32 to vector<16xf32>
      %select_n3A_220 = arith.select %and3A_170, %gather3A_217, %broadcast_in_dim3A_219 : vector<16xi1>, vector<16xf32>
      %add3A_221 = arith.addf %add3A_207, %select_n3A_220 : vector<16xf32>
      %broadcast_in_dim3A_222 = vector.shape_cast %max3A_74 : vector<16xi32> to vector<16x1xi32>
      %gather3A_223 = vector.shape_cast %broadcast_in_dim3A_222 : vector<16x1xi32> to vector<16xi32>
      %gather3A_224 = tpu.dynamic_gather %add3A_214[%gather3A_223] in [0] : vector<16xf32>, vector<16xi32> -> vector<16xf32>
      %jit3A_225 = arith.constant 0.000000e+00 : f32
      %broadcast_in_dim3A_226 = vector.broadcast %jit3A_225 : f32 to vector<16xf32>
      %select_n3A_227 = arith.select %and3A_178, %gather3A_224, %broadcast_in_dim3A_226 : vector<16xi1>, vector<16xf32>
      %add3A_228 = arith.addf %add3A_214, %select_n3A_227 : vector<16xf32>
      %broadcast_in_dim3A_229 = vector.shape_cast %max3A_74 : vector<16xi32> to vector<16x1xi32>
      %gather3A_230 = vector.shape_cast %broadcast_in_dim3A_229 : vector<16x1xi32> to vector<16xi32>
      %gather3A_231 = tpu.dynamic_gather %add3A_221[%gather3A_230] in [0] : vector<16xf32>, vector<16xi32> -> vector<16xf32>
      %jit3A_232 = arith.constant 0.000000e+00 : f32
      %broadcast_in_dim3A_233 = vector.broadcast %jit3A_232 : f32 to vector<16xf32>
      %select_n3A_234 = arith.select %and3A_178, %gather3A_231, %broadcast_in_dim3A_233 : vector<16xi1>, vector<16xf32>
      %add3A_235 = arith.addf %add3A_221, %select_n3A_234 : vector<16xf32>
      %broadcast_in_dim3A_236 = vector.shape_cast %max3A_80 : vector<16xi32> to vector<16x1xi32>
      %gather3A_237 = vector.shape_cast %broadcast_in_dim3A_236 : vector<16x1xi32> to vector<16xi32>
      %gather3A_238 = tpu.dynamic_gather %add3A_228[%gather3A_237] in [0] : vector<16xf32>, vector<16xi32> -> vector<16xf32>
      %jit3A_239 = arith.constant 0.000000e+00 : f32
      %broadcast_in_dim3A_240 = vector.broadcast %jit3A_239 : f32 to vector<16xf32>
      %select_n3A_241 = arith.select %and3A_186, %gather3A_238, %broadcast_in_dim3A_240 : vector<16xi1>, vector<16xf32>
      %add3A_242 = arith.addf %add3A_228, %select_n3A_241 : vector<16xf32>
      %broadcast_in_dim3A_243 = vector.shape_cast %max3A_80 : vector<16xi32> to vector<16x1xi32>
      %gather3A_244 = vector.shape_cast %broadcast_in_dim3A_243 : vector<16x1xi32> to vector<16xi32>
      %gather3A_245 = tpu.dynamic_gather %add3A_235[%gather3A_244] in [0] : vector<16xf32>, vector<16xi32> -> vector<16xf32>
      %jit3A_246 = arith.constant 0.000000e+00 : f32
      %broadcast_in_dim3A_247 = vector.broadcast %jit3A_246 : f32 to vector<16xf32>
      %select_n3A_248 = arith.select %and3A_186, %gather3A_245, %broadcast_in_dim3A_247 : vector<16xi1>, vector<16xf32>
      %add3A_249 = arith.addf %add3A_235, %select_n3A_248 : vector<16xf32>
      %add3A_250 = arith.constant 16 : i32
      %add3A_251 = arith.addi %multiple_of3A, %add3A_250 : i32
      %get3A_252 = arith.index_cast %add3A_251 : i32 to index
      %get3A_253 = tpu.vector_load %arg10[%get3A_252] {strides = array<i32>} : memref<3136xi32, #tpu.memory_space<vmem>>, vector<16xi32>,
      %get3A_254 = arith.index_cast %add3A_251 : i32 to index
      %get3A_255 = tpu.vector_load %arg8[%get3A_254] {strides = array<i32>} : memref<3136xf32, #tpu.memory_space<vmem>>, vector<16xf32>,
      %get3A_256 = arith.index_cast %add3A_251 : i32 to index
      %get3A_257 = tpu.vector_load %arg9[%get3A_256] {strides = array<i32>} : memref<3136xf32, #tpu.memory_space<vmem>>, vector<16xf32>,
      %gather3A_258 = tpu.vector_load_idx %arg11[%get3A_253] : memref<256xf32, #tpu.memory_space<vmem>>[vector<16xi32>], vector<16xf32>,
      %sub3A_259 = arith.subf %get3A_255, %gather3A_258 : vector<16xf32>
      %exp3A_260 = math.exp %sub3A_259 : vector<16xf32>
      %mul3A_261 = arith.mulf %exp3A_260, %get3A_257 : vector<16xf32>
      %broadcast_in_dim3A_262 = vector.shape_cast %max3A_62 : vector<16xi32> to vector<16x1xi32>
      %gather3A_263 = vector.shape_cast %broadcast_in_dim3A_262 : vector<16x1xi32> to vector<16xi32>
      %gather3A_264 = tpu.dynamic_gather %get3A_253[%gather3A_263] in [0] : vector<16xi32>, vector<16xi32> -> vector<16xi32>
      %eq3A_265 = arith.cmpi eq, %gather3A_264, %get3A_253 : vector<16xi32>
      %ge3A_266 = arith.constant 1 : i32
      %ge3A_267 = vector.broadcast %ge3A_266 : i32 to vector<16xi32>
      %ge3A_268 = arith.cmpi sge, %iota3A, %ge3A_267 : vector<16xi32>
      %and3A_269 = arith.andi %eq3A_265, %ge3A_268 : vector<16xi1>
      %broadcast_in_dim3A_270 = vector.shape_cast %max3A_68 : vector<16xi32> to vector<16x1xi32>
      %gather3A_271 = vector.shape_cast %broadcast_in_dim3A_270 : vector<16x1xi32> to vector<16xi32>
      %gather3A_272 = tpu.dynamic_gather %get3A_253[%gather3A_271] in [0] : vector<16xi32>, vector<16xi32> -> vector<16xi32>
      %eq3A_273 = arith.cmpi eq, %gather3A_272, %get3A_253 : vector<16xi32>
      %ge3A_274 = arith.constant 2 : i32
      %ge3A_275 = vector.broadcast %ge3A_274 : i32 to vector<16xi32>
      %ge3A_276 = arith.cmpi sge, %iota3A, %ge3A_275 : vector<16xi32>
      %and3A_277 = arith.andi %eq3A_273, %ge3A_276 : vector<16xi1>
      %broadcast_in_dim3A_278 = vector.shape_cast %max3A_74 : vector<16xi32> to vector<16x1xi32>
      %gather3A_279 = vector.shape_cast %broadcast_in_dim3A_278 : vector<16x1xi32> to vector<16xi32>
      %gather3A_280 = tpu.dynamic_gather %get3A_253[%gather3A_279] in [0] : vector<16xi32>, vector<16xi32> -> vector<16xi32>
      %eq3A_281 = arith.cmpi eq, %gather3A_280, %get3A_253 : vector<16xi32>
      %ge3A_282 = arith.constant 4 : i32
      %ge3A_283 = vector.broadcast %ge3A_282 : i32 to vector<16xi32>
      %ge3A_284 = arith.cmpi sge, %iota3A, %ge3A_283 : vector<16xi32>
      %and3A_285 = arith.andi %eq3A_281, %ge3A_284 : vector<16xi1>
      %broadcast_in_dim3A_286 = vector.shape_cast %max3A_80 : vector<16xi32> to vector<16x1xi32>
      %gather3A_287 = vector.shape_cast %broadcast_in_dim3A_286 : vector<16x1xi32> to vector<16xi32>
      %gather3A_288 = tpu.dynamic_gather %get3A_253[%gather3A_287] in [0] : vector<16xi32>, vector<16xi32> -> vector<16xi32>
      %eq3A_289 = arith.cmpi eq, %gather3A_288, %get3A_253 : vector<16xi32>
      %ge3A_290 = arith.constant 8 : i32
      %ge3A_291 = vector.broadcast %ge3A_290 : i32 to vector<16xi32>
      %ge3A_292 = arith.cmpi sge, %iota3A, %ge3A_291 : vector<16xi32>
      %and3A_293 = arith.andi %eq3A_289, %ge3A_292 : vector<16xi1>
      %broadcast_in_dim3A_294 = vector.shape_cast %min3A_85 : vector<16xi32> to vector<16x1xi32>
      %gather3A_295 = vector.shape_cast %broadcast_in_dim3A_294 : vector<16x1xi32> to vector<16xi32>
      %gather3A_296 = tpu.dynamic_gather %get3A_253[%gather3A_295] in [0] : vector<16xi32>, vector<16xi32> -> vector<16xi32>
      %ne3A_297 = arith.cmpi ne, %get3A_253, %gather3A_296 : vector<16xi32>
      %eq3A_298 = arith.constant 15 : i32
      %eq3A_299 = vector.broadcast %eq3A_298 : i32 to vector<16xi32>
      %eq3A_300 = arith.cmpi eq, %iota3A, %eq3A_299 : vector<16xi32>
      %or3A_301 = arith.ori %ne3A_297, %eq3A_300 : vector<16xi1>
      %broadcast_in_dim3A_302 = vector.shape_cast %max3A_62 : vector<16xi32> to vector<16x1xi32>
      %gather3A_303 = vector.shape_cast %broadcast_in_dim3A_302 : vector<16x1xi32> to vector<16xi32>
      %gather3A_304 = tpu.dynamic_gather %exp3A_260[%gather3A_303] in [0] : vector<16xf32>, vector<16xi32> -> vector<16xf32>
      %jit3A_305 = arith.constant 0.000000e+00 : f32
      %broadcast_in_dim3A_306 = vector.broadcast %jit3A_305 : f32 to vector<16xf32>
      %select_n3A_307 = arith.select %and3A_269, %gather3A_304, %broadcast_in_dim3A_306 : vector<16xi1>, vector<16xf32>
      %add3A_308 = arith.addf %exp3A_260, %select_n3A_307 : vector<16xf32>
      %broadcast_in_dim3A_309 = vector.shape_cast %max3A_62 : vector<16xi32> to vector<16x1xi32>
      %gather3A_310 = vector.shape_cast %broadcast_in_dim3A_309 : vector<16x1xi32> to vector<16xi32>
      %gather3A_311 = tpu.dynamic_gather %mul3A_261[%gather3A_310] in [0] : vector<16xf32>, vector<16xi32> -> vector<16xf32>
      %jit3A_312 = arith.constant 0.000000e+00 : f32
      %broadcast_in_dim3A_313 = vector.broadcast %jit3A_312 : f32 to vector<16xf32>
      %select_n3A_314 = arith.select %and3A_269, %gather3A_311, %broadcast_in_dim3A_313 : vector<16xi1>, vector<16xf32>
      %add3A_315 = arith.addf %mul3A_261, %select_n3A_314 : vector<16xf32>
      %broadcast_in_dim3A_316 = vector.shape_cast %max3A_68 : vector<16xi32> to vector<16x1xi32>
      %gather3A_317 = vector.shape_cast %broadcast_in_dim3A_316 : vector<16x1xi32> to vector<16xi32>
      %gather3A_318 = tpu.dynamic_gather %add3A_308[%gather3A_317] in [0] : vector<16xf32>, vector<16xi32> -> vector<16xf32>
      %jit3A_319 = arith.constant 0.000000e+00 : f32
      %broadcast_in_dim3A_320 = vector.broadcast %jit3A_319 : f32 to vector<16xf32>
      %select_n3A_321 = arith.select %and3A_277, %gather3A_318, %broadcast_in_dim3A_320 : vector<16xi1>, vector<16xf32>
      %add3A_322 = arith.addf %add3A_308, %select_n3A_321 : vector<16xf32>
      %broadcast_in_dim3A_323 = vector.shape_cast %max3A_68 : vector<16xi32> to vector<16x1xi32>
      %gather3A_324 = vector.shape_cast %broadcast_in_dim3A_323 : vector<16x1xi32> to vector<16xi32>
      %gather3A_325 = tpu.dynamic_gather %add3A_315[%gather3A_324] in [0] : vector<16xf32>, vector<16xi32> -> vector<16xf32>
      %jit3A_326 = arith.constant 0.000000e+00 : f32
      %broadcast_in_dim3A_327 = vector.broadcast %jit3A_326 : f32 to vector<16xf32>
      %select_n3A_328 = arith.select %and3A_277, %gather3A_325, %broadcast_in_dim3A_327 : vector<16xi1>, vector<16xf32>
      %add3A_329 = arith.addf %add3A_315, %select_n3A_328 : vector<16xf32>
      %broadcast_in_dim3A_330 = vector.shape_cast %max3A_74 : vector<16xi32> to vector<16x1xi32>
      %gather3A_331 = vector.shape_cast %broadcast_in_dim3A_330 : vector<16x1xi32> to vector<16xi32>
      %gather3A_332 = tpu.dynamic_gather %add3A_322[%gather3A_331] in [0] : vector<16xf32>, vector<16xi32> -> vector<16xf32>
      %jit3A_333 = arith.constant 0.000000e+00 : f32
      %broadcast_in_dim3A_334 = vector.broadcast %jit3A_333 : f32 to vector<16xf32>
      %select_n3A_335 = arith.select %and3A_285, %gather3A_332, %broadcast_in_dim3A_334 : vector<16xi1>, vector<16xf32>
      %add3A_336 = arith.addf %add3A_322, %select_n3A_335 : vector<16xf32>
      %broadcast_in_dim3A_337 = vector.shape_cast %max3A_74 : vector<16xi32> to vector<16x1xi32>
      %gather3A_338 = vector.shape_cast %broadcast_in_dim3A_337 : vector<16x1xi32> to vector<16xi32>
      %gather3A_339 = tpu.dynamic_gather %add3A_329[%gather3A_338] in [0] : vector<16xf32>, vector<16xi32> -> vector<16xf32>
      %jit3A_340 = arith.constant 0.000000e+00 : f32
      %broadcast_in_dim3A_341 = vector.broadcast %jit3A_340 : f32 to vector<16xf32>
      %select_n3A_342 = arith.select %and3A_285, %gather3A_339, %broadcast_in_dim3A_341 : vector<16xi1>, vector<16xf32>
      %add3A_343 = arith.addf %add3A_329, %select_n3A_342 : vector<16xf32>
      %broadcast_in_dim3A_344 = vector.shape_cast %max3A_80 : vector<16xi32> to vector<16x1xi32>
      %gather3A_345 = vector.shape_cast %broadcast_in_dim3A_344 : vector<16x1xi32> to vector<16xi32>
      %gather3A_346 = tpu.dynamic_gather %add3A_336[%gather3A_345] in [0] : vector<16xf32>, vector<16xi32> -> vector<16xf32>
      %jit3A_347 = arith.constant 0.000000e+00 : f32
      %broadcast_in_dim3A_348 = vector.broadcast %jit3A_347 : f32 to vector<16xf32>
      %select_n3A_349 = arith.select %and3A_293, %gather3A_346, %broadcast_in_dim3A_348 : vector<16xi1>, vector<16xf32>
      %add3A_350 = arith.addf %add3A_336, %select_n3A_349 : vector<16xf32>
      %broadcast_in_dim3A_351 = vector.shape_cast %max3A_80 : vector<16xi32> to vector<16x1xi32>
      %gather3A_352 = vector.shape_cast %broadcast_in_dim3A_351 : vector<16x1xi32> to vector<16xi32>
      %gather3A_353 = tpu.dynamic_gather %add3A_343[%gather3A_352] in [0] : vector<16xf32>, vector<16xi32> -> vector<16xf32>
      %jit3A_354 = arith.constant 0.000000e+00 : f32
      %broadcast_in_dim3A_355 = vector.broadcast %jit3A_354 : f32 to vector<16xf32>
      %select_n3A_356 = arith.select %and3A_293, %gather3A_353, %broadcast_in_dim3A_355 : vector<16xi1>, vector<16xf32>
      %add3A_357 = arith.addf %add3A_343, %select_n3A_356 : vector<16xf32>
      tpu.vector_store_idx %arg12[%get3A_149], %add3A_242 masked %or3A {add = true} : memref<256xf32, #tpu.memory_space<vmem>>[vector<16xi32>], vector<16xf32>, vector<16xi1>
      tpu.vector_store_idx %arg13[%get3A_149], %add3A_249 masked %or3A {add = true} : memref<256xf32, #tpu.memory_space<vmem>>[vector<16xi32>], vector<16xf32>, vector<16xi1>
      tpu.vector_store_idx %arg12[%get3A_253], %add3A_350 masked %or3A_301 {add = true} : memref<256xf32, #tpu.memory_space<vmem>>[vector<16xi32>], vector<16xf32>, vector<16xi1>
      tpu.vector_store_idx %arg13[%get3A_253], %add3A_357 masked %or3A_301 {add = true} : memref<256xf32, #tpu.memory_space<vmem>>[vector<16xi32>], vector<16xf32>, vector<16xi1>
    }
    "tpu.region"() ({
      %run_scoped3A = tpu.sem_alloc : memref<!tpu.dma_semaphore, #tpu.memory_space<semaphore_mem>>
      %dma_start3A_146 = arith.constant 0 : i32
      %dma_start3A_147 = tpu.memref_slice %arg5[%add3A, %dma_start3A_146] : memref<32x256xf32, #tpu.memory_space<hbm>> -> memref<1x256xf32, #tpu.memory_space<hbm>>
      %dma_start3A_148 = tpu.memref_squeeze %dma_start3A_147 : memref<1x256xf32, #tpu.memory_space<hbm>> -> memref<256xf32, #tpu.memory_space<hbm>>
      %dma_start3A_149 = arith.constant 0 : i32
      %dma_start3A_150 = tpu.memref_slice %arg5[%add3A, %dma_start3A_149] : memref<32x256xf32, #tpu.memory_space<hbm>> -> memref<1x256xf32, #tpu.memory_space<hbm>>
      %dma_start3A_151 = tpu.memref_squeeze %dma_start3A_150 : memref<1x256xf32, #tpu.memory_space<hbm>> -> memref<256xf32, #tpu.memory_space<hbm>>
      tpu.enqueue_dma source(%arg11 : memref<256xf32, #tpu.memory_space<vmem>>) target(%dma_start3A_151 : memref<256xf32, #tpu.memory_space<hbm>>) target_semaphore(%run_scoped3A : memref<!tpu.dma_semaphore, #tpu.memory_space<semaphore_mem>>)
      %dma_wait3A_152 = arith.constant 0 : i32
      %dma_wait3A_153 = tpu.memref_slice %arg5[%add3A, %dma_wait3A_152] : memref<32x256xf32, #tpu.memory_space<hbm>> -> memref<1x256xf32, #tpu.memory_space<hbm>>
      %dma_wait3A_154 = tpu.memref_squeeze %dma_wait3A_153 : memref<1x256xf32, #tpu.memory_space<hbm>> -> memref<256xf32, #tpu.memory_space<hbm>>
      %dma_wait3A_155 = arith.constant 0 : i32
      %dma_wait3A_156 = tpu.memref_slice %arg5[%add3A, %dma_wait3A_155] : memref<32x256xf32, #tpu.memory_space<hbm>> -> memref<1x256xf32, #tpu.memory_space<hbm>>
      %dma_wait3A_157 = tpu.memref_squeeze %dma_wait3A_156 : memref<1x256xf32, #tpu.memory_space<hbm>> -> memref<256xf32, #tpu.memory_space<hbm>>
      tpu.wait_dma2 semaphore(%run_scoped3A : memref<!tpu.dma_semaphore, #tpu.memory_space<semaphore_mem>>) src(%arg11 : memref<256xf32, #tpu.memory_space<vmem>>) dst(%dma_wait3A_157 : memref<256xf32, #tpu.memory_space<hbm>>)
      tpu.yield
    }) : () -> ()
    "tpu.region"() ({
      %run_scoped3A = tpu.sem_alloc : memref<!tpu.dma_semaphore, #tpu.memory_space<semaphore_mem>>
      %dma_start3A_146 = arith.constant 0 : i32
      %dma_start3A_147 = tpu.memref_slice %arg6[%add3A, %dma_start3A_146] : memref<32x256xf32, #tpu.memory_space<hbm>> -> memref<1x256xf32, #tpu.memory_space<hbm>>
      %dma_start3A_148 = tpu.memref_squeeze %dma_start3A_147 : memref<1x256xf32, #tpu.memory_space<hbm>> -> memref<256xf32, #tpu.memory_space<hbm>>
      %dma_start3A_149 = arith.constant 0 : i32
      %dma_start3A_150 = tpu.memref_slice %arg6[%add3A, %dma_start3A_149] : memref<32x256xf32, #tpu.memory_space<hbm>> -> memref<1x256xf32, #tpu.memory_space<hbm>>
      %dma_start3A_151 = tpu.memref_squeeze %dma_start3A_150 : memref<1x256xf32, #tpu.memory_space<hbm>> -> memref<256xf32, #tpu.memory_space<hbm>>
      tpu.enqueue_dma source(%arg12 : memref<256xf32, #tpu.memory_space<vmem>>) target(%dma_start3A_151 : memref<256xf32, #tpu.memory_space<hbm>>) target_semaphore(%run_scoped3A : memref<!tpu.dma_semaphore, #tpu.memory_space<semaphore_mem>>)
      %dma_wait3A_152 = arith.constant 0 : i32
      %dma_wait3A_153 = tpu.memref_slice %arg6[%add3A, %dma_wait3A_152] : memref<32x256xf32, #tpu.memory_space<hbm>> -> memref<1x256xf32, #tpu.memory_space<hbm>>
      %dma_wait3A_154 = tpu.memref_squeeze %dma_wait3A_153 : memref<1x256xf32, #tpu.memory_space<hbm>> -> memref<256xf32, #tpu.memory_space<hbm>>
      %dma_wait3A_155 = arith.constant 0 : i32
      %dma_wait3A_156 = tpu.memref_slice %arg6[%add3A, %dma_wait3A_155] : memref<32x256xf32, #tpu.memory_space<hbm>> -> memref<1x256xf32, #tpu.memory_space<hbm>>
      %dma_wait3A_157 = tpu.memref_squeeze %dma_wait3A_156 : memref<1x256xf32, #tpu.memory_space<hbm>> -> memref<256xf32, #tpu.memory_space<hbm>>
      tpu.wait_dma2 semaphore(%run_scoped3A : memref<!tpu.dma_semaphore, #tpu.memory_space<semaphore_mem>>) src(%arg12 : memref<256xf32, #tpu.memory_space<vmem>>) dst(%dma_wait3A_157 : memref<256xf32, #tpu.memory_space<hbm>>)
      tpu.yield
    }) : () -> ()
    "tpu.region"() ({
      %run_scoped3A = tpu.sem_alloc : memref<!tpu.dma_semaphore, #tpu.memory_space<semaphore_mem>>
      %dma_start3A_146 = arith.constant 0 : i32
      %dma_start3A_147 = tpu.memref_slice %arg7[%add3A, %dma_start3A_146] : memref<32x256xf32, #tpu.memory_space<hbm>> -> memref<1x256xf32, #tpu.memory_space<hbm>>
      %dma_start3A_148 = tpu.memref_squeeze %dma_start3A_147 : memref<1x256xf32, #tpu.memory_space<hbm>> -> memref<256xf32, #tpu.memory_space<hbm>>
      %dma_start3A_149 = arith.constant 0 : i32
      %dma_start3A_150 = tpu.memref_slice %arg7[%add3A, %dma_start3A_149] : memref<32x256xf32, #tpu.memory_space<hbm>> -> memref<1x256xf32, #tpu.memory_space<hbm>>
      %dma_start3A_151 = tpu.memref_squeeze %dma_start3A_150 : memref<1x256xf32, #tpu.memory_space<hbm>> -> memref<256xf32, #tpu.memory_space<hbm>>
      tpu.enqueue_dma source(%arg13 : memref<256xf32, #tpu.memory_space<vmem>>) target(%dma_start3A_151 : memref<256xf32, #tpu.memory_space<hbm>>) target_semaphore(%run_scoped3A : memref<!tpu.dma_semaphore, #tpu.memory_space<semaphore_mem>>)
      %dma_wait3A_152 = arith.constant 0 : i32
      %dma_wait3A_153 = tpu.memref_slice %arg7[%add3A, %dma_wait3A_152] : memref<32x256xf32, #tpu.memory_space<hbm>> -> memref<1x256xf32, #tpu.memory_space<hbm>>
      %dma_wait3A_154 = tpu.memref_squeeze %dma_wait3A_153 : memref<1x256xf32, #tpu.memory_space<hbm>> -> memref<256xf32, #tpu.memory_space<hbm>>
      %dma_wait3A_155 = arith.constant 0 : i32
      %dma_wait3A_156 = tpu.memref_slice %arg7[%add3A, %dma_wait3A_155] : memref<32x256xf32, #tpu.memory_space<hbm>> -> memref<1x256xf32, #tpu.memory_space<hbm>>
      %dma_wait3A_157 = tpu.memref_squeeze %dma_wait3A_156 : memref<1x256xf32, #tpu.memory_space<hbm>> -> memref<256xf32, #tpu.memory_space<hbm>>
      tpu.wait_dma2 semaphore(%run_scoped3A : memref<!tpu.dma_semaphore, #tpu.memory_space<semaphore_mem>>) src(%arg13 : memref<256xf32, #tpu.memory_space<vmem>>) dst(%dma_wait3A_157 : memref<256xf32, #tpu.memory_space<hbm>>)
      tpu.yield
    }) : () -> ()
    return
  }
}

module attributes {stable_mosaic.version = 14 : i64} {
  func.func @_stage1(%arg0: i32, %arg1: memref<16384x128xf32, #tpu.memory_space<vmem>>, %arg2: memref<128x64xf32, #tpu.memory_space<vmem>>, %arg3: memref<128x1xf32, #tpu.memory_space<vmem>>, %arg4: memref<128x1xf32, #tpu.memory_space<vmem>>, %arg5: memref<16384xf32, #tpu.memory_space<vmem>>, %arg6: memref<16384xf32, #tpu.memory_space<vmem>>) attributes {dimension_semantics = [#tpu.dimension_semantics<arbitrary>], iteration_bounds = array<i64: 7>, scalar_prefetch = 0 : i64, scratch_operands = 0 : i64, tpu.core_type = #tpu.core_type<tc>, window_params = [{transform_indices = @transform_0, window_bounds = array<i64: 16384, 128>}, {pipeline_mode = #tpu.pipeline_mode<synchronous>, transform_indices = @transform_1, window_bounds = array<i64: 128, 64>}, {pipeline_mode = #tpu.pipeline_mode<synchronous>, transform_indices = @transform_2, window_bounds = array<i64: 128, 1>}, {pipeline_mode = #tpu.pipeline_mode<synchronous>, transform_indices = @transform_3, window_bounds = array<i64: 128, 1>}, {transform_indices = @transform_4, window_bounds = array<i64: 16384>}, {transform_indices = @transform_5, window_bounds = array<i64: 16384>}]} {
    %get3A = arith.constant 0 : index
    %get3A_0 = arith.constant 0 : index
    %get3A_1 = vector.load %arg3[%get3A, %get3A_0] : memref<128x1xf32, #tpu.memory_space<vmem>>, vector<64x1xf32>
    %get3A_2 = arith.constant 64 : index
    %get3A_3 = arith.constant 0 : index
    %get3A_4 = vector.load %arg3[%get3A_2, %get3A_3] : memref<128x1xf32, #tpu.memory_space<vmem>>, vector<64x1xf32>
    %add3A = arith.addf %get3A_1, %get3A_4 : vector<64x1xf32>
    %get3A_5 = arith.constant 0 : index
    %get3A_6 = arith.constant 0 : index
    %get3A_7 = vector.load %arg4[%get3A_5, %get3A_6] : memref<128x1xf32, #tpu.memory_space<vmem>>, vector<64x1xf32>
    %get3A_8 = arith.constant 64 : index
    %get3A_9 = arith.constant 0 : index
    %get3A_10 = vector.load %arg4[%get3A_8, %get3A_9] : memref<128x1xf32, #tpu.memory_space<vmem>>, vector<64x1xf32>
    %add3A_11 = arith.addf %get3A_7, %get3A_10 : vector<64x1xf32>
    %get3A_12 = arith.constant 0 : index
    %get3A_13 = arith.constant 0 : index
    %get3A_14 = vector.load %arg2[%get3A_12, %get3A_13] : memref<128x64xf32, #tpu.memory_space<vmem>>, vector<128x64xf32>
    %concatenate3A = tpu.concatenate %add3A, %add3A_11 in 1 : vector<64x1xf32>, vector<64x1xf32> -> vector<64x2xf32>
    %dot_general3A = arith.constant dense<0.000000e+00> : vector<128x2xf32>
    %dot_general3A_15 = tpu.matmul %get3A_14, %concatenate3A, %dot_general3A {dimension_numbers = #tpu.dot_dimension_numbers<[1], [0], [0], [1], [0, 0, 1, 1], [], []>, transpose_lhs_hint = false} : vector<128x64xf32>, vector<64x2xf32>, vector<128x2xf32> -> vector<128x2xf32>
    %get3A_16 = arith.constant 0 : index
    %get3A_17 = arith.constant 0 : index
    %get3A_18 = vector.load %arg1[%get3A_16, %get3A_17] : memref<16384x128xf32, #tpu.memory_space<vmem>>, vector<16384x128xf32>
    %dot_general3A_19 = arith.constant dense<0.000000e+00> : vector<16384x2xf32>
    %dot_general3A_20 = tpu.matmul %get3A_18, %dot_general3A_15, %dot_general3A_19 {dimension_numbers = #tpu.dot_dimension_numbers<[1], [0], [0], [1], [0, 0, 1, 1], [], []>, transpose_lhs_hint = false} : vector<16384x128xf32>, vector<128x2xf32>, vector<16384x2xf32> -> vector<16384x2xf32>
    %transpose3A = tpu.transpose %dot_general3A_20, [1, 0] : vector<16384x2xf32> -> vector<2x16384xf32>
    %slice3A = vector.extract_strided_slice %transpose3A {offsets = [0, 0], sizes = [1, 16384], strides = [1, 1]} : vector<2x16384xf32> to vector<1x16384xf32>
    %squeeze3A = vector.shape_cast %slice3A : vector<1x16384xf32> to vector<16384xf32>
    %swap3A = arith.constant 0 : index
    %swap3A_21 = vector.load %arg5[%swap3A] : memref<16384xf32, #tpu.memory_space<vmem>>, vector<16384xf32>
    tpu.vector_store %arg5[%swap3A], %squeeze3A {strides = array<i32>} : memref<16384xf32, #tpu.memory_space<vmem>>, vector<16384xf32>,
    %slice3A_22 = vector.extract_strided_slice %transpose3A {offsets = [1, 0], sizes = [1, 16384], strides = [1, 1]} : vector<2x16384xf32> to vector<1x16384xf32>
    %squeeze3A_23 = vector.shape_cast %slice3A_22 : vector<1x16384xf32> to vector<16384xf32>
    %swap3A_24 = arith.constant 0 : index
    %swap3A_25 = vector.load %arg6[%swap3A_24] : memref<16384xf32, #tpu.memory_space<vmem>>, vector<16384xf32>
    tpu.vector_store %arg6[%swap3A_24], %squeeze3A_23 {strides = array<i32>} : memref<16384xf32, #tpu.memory_space<vmem>>, vector<16384xf32>,
    return
  }
  func.func @transform_0(%arg0: i32) -> (i32, i32) {
    %c0_i32 = arith.constant 0 : i32
    %c0_i32_0 = arith.constant 0 : i32
    return %arg0, %c0_i32 : i32, i32
  }
  func.func @transform_1(%arg0: i32) -> (i32, i32) {
    %c0_i32 = arith.constant 0 : i32
    %c0_i32_0 = arith.constant 0 : i32
    %c0_i32_1 = arith.constant 0 : i32
    return %c0_i32, %c0_i32_0 : i32, i32
  }
  func.func @transform_2(%arg0: i32) -> (i32, i32) {
    %c0_i32 = arith.constant 0 : i32
    %c0_i32_0 = arith.constant 0 : i32
    %c0_i32_1 = arith.constant 0 : i32
    return %c0_i32, %c0_i32_0 : i32, i32
  }
  func.func @transform_3(%arg0: i32) -> (i32, i32) {
    %c0_i32 = arith.constant 0 : i32
    %c0_i32_0 = arith.constant 0 : i32
    %c0_i32_1 = arith.constant 0 : i32
    return %c0_i32, %c0_i32_0 : i32, i32
  }
  func.func @transform_4(%arg0: i32) -> i32 {
    %c0_i32 = arith.constant 0 : i32
    return %arg0 : i32
  }
  func.func @transform_5(%arg0: i32) -> i32 {
    %c0_i32 = arith.constant 0 : i32
    return %arg0 : i32
  }
}

module attributes {stable_mosaic.version = 14 : i64} {
  func.func @_stage3(%arg0: memref<32x256xf32, #tpu.memory_space<vmem>>, %arg1: memref<32x256xf32, #tpu.memory_space<vmem>>, %arg2: memref<32x256xf32, #tpu.memory_space<vmem>>, %arg3: memref<1x64xf32, #tpu.memory_space<vmem>>, %arg4: memref<128x1xf32, #tpu.memory_space<vmem>>, %arg5: memref<1x1xf32, #tpu.memory_space<vmem>>, %arg6: memref<1x256xf32, #tpu.memory_space<vmem>>) attributes {dimension_semantics = [], scalar_prefetch = 0 : i64, scratch_operands = 0 : i64, tpu.core_type = #tpu.core_type<tc>} {
    %get3A = arith.constant 0 : index
    %get3A_0 = arith.constant 0 : index
    %get3A_1 = vector.load %arg0[%get3A, %get3A_0] : memref<32x256xf32, #tpu.memory_space<vmem>>, vector<32x256xf32>
    %reduce_max3A = arith.constant dense<0xFF800000> : vector<256xf32>
    %reduce_max3A_2 = vector.multi_reduction <maximumf>, %get3A_1, %reduce_max3A [0] : vector<32x256xf32> to vector<256xf32>
    %broadcast_in_dim3A = vector.shape_cast %reduce_max3A_2 : vector<256xf32> to vector<1x256xf32>
    %eq3A = arith.constant 0xFF800000 : f32
    %eq3A_3 = vector.broadcast %eq3A : f32 to vector<32x256xf32>
    %eq3A_4 = arith.cmpf oeq, %get3A_1, %eq3A_3 : vector<32x256xf32>
    %sub3A = vector.broadcast %broadcast_in_dim3A : vector<1x256xf32> to vector<32x256xf32>
    %sub3A_5 = arith.subf %get3A_1, %sub3A : vector<32x256xf32>
    %exp3A = math.exp %sub3A_5 : vector<32x256xf32>
    %jit3A = arith.constant 0.000000e+00 : f32
    %broadcast_in_dim3A_6 = vector.broadcast %jit3A : f32 to vector<32x256xf32>
    %select_n3A = arith.select %eq3A_4, %broadcast_in_dim3A_6, %exp3A : vector<32x256xi1>, vector<32x256xf32>
    %get3A_7 = arith.constant 0 : index
    %get3A_8 = arith.constant 0 : index
    %get3A_9 = vector.load %arg1[%get3A_7, %get3A_8] : memref<32x256xf32, #tpu.memory_space<vmem>>, vector<32x256xf32>
    %mul3A = arith.mulf %get3A_9, %select_n3A : vector<32x256xf32>
    %reduce_sum3A = arith.constant dense<0.000000e+00> : vector<256xf32>
    %reduce_sum3A_10 = vector.multi_reduction <add>, %mul3A, %reduce_sum3A [0] : vector<32x256xf32> to vector<256xf32>
    %broadcast_in_dim3A_11 = vector.shape_cast %reduce_sum3A_10 : vector<256xf32> to vector<1x256xf32>
    %get3A_12 = arith.constant 0 : index
    %get3A_13 = arith.constant 0 : index
    %get3A_14 = vector.load %arg2[%get3A_12, %get3A_13] : memref<32x256xf32, #tpu.memory_space<vmem>>, vector<32x256xf32>
    %mul3A_15 = arith.mulf %get3A_14, %select_n3A : vector<32x256xf32>
    %reduce_sum3A_16 = arith.constant dense<0.000000e+00> : vector<256xf32>
    %reduce_sum3A_17 = vector.multi_reduction <add>, %mul3A_15, %reduce_sum3A_16 [0] : vector<32x256xf32> to vector<256xf32>
    %broadcast_in_dim3A_18 = vector.shape_cast %reduce_sum3A_17 : vector<256xf32> to vector<1x256xf32>
    %get3A_19 = arith.constant 0 : index
    %get3A_20 = arith.constant 0 : index
    %get3A_21 = vector.load %arg4[%get3A_19, %get3A_20] : memref<128x1xf32, #tpu.memory_space<vmem>>, vector<64x1xf32>
    %get3A_22 = arith.constant 64 : index
    %get3A_23 = arith.constant 0 : index
    %get3A_24 = vector.load %arg4[%get3A_22, %get3A_23] : memref<128x1xf32, #tpu.memory_space<vmem>>, vector<64x1xf32>
    %add3A = arith.addf %get3A_21, %get3A_24 : vector<64x1xf32>
    %get3A_25 = arith.constant 0 : index
    %get3A_26 = arith.constant 0 : index
    %get3A_27 = vector.load %arg3[%get3A_25, %get3A_26] : memref<1x64xf32, #tpu.memory_space<vmem>>, vector<1x64xf32>
    %dot_general3A = arith.constant dense<0.000000e+00> : vector<1x1xf32>
    %dot_general3A_28 = tpu.matmul %get3A_27, %add3A, %dot_general3A {dimension_numbers = #tpu.dot_dimension_numbers<[1], [0], [0], [1], [0, 0, 1, 1], [], []>, transpose_lhs_hint = false} : vector<1x64xf32>, vector<64x1xf32>, vector<1x1xf32> -> vector<1x1xf32>
    %max3A = arith.constant 9.99999996E-13 : f32
    %max3A_29 = vector.broadcast %max3A : f32 to vector<1x256xf32>
    %max3A_30 = arith.maximumf %broadcast_in_dim3A_11, %max3A_29 : vector<1x256xf32>
    %div3A = arith.divf %broadcast_in_dim3A_18, %max3A_30 : vector<1x256xf32>
    %gt3A = arith.constant 0.000000e+00 : f32
    %gt3A_31 = vector.broadcast %gt3A : f32 to vector<1x256xf32>
    %gt3A_32 = arith.cmpf ogt, %broadcast_in_dim3A_11, %gt3A_31 : vector<1x256xf32>
    %jit3A_33 = arith.constant 1.000000e+00 : f32
    %jit3A_34 = arith.constant 0.000000e+00 : f32
    %broadcast_in_dim3A_35 = vector.broadcast %jit3A_33 : f32 to vector<1x256xf32>
    %broadcast_in_dim3A_36 = vector.broadcast %jit3A_34 : f32 to vector<1x256xf32>
    %select_n3A_37 = arith.select %gt3A_32, %broadcast_in_dim3A_35, %broadcast_in_dim3A_36 : vector<1x256xi1>, vector<1x256xf32>
    %squeeze3A = vector.extract %dot_general3A_28[0, 0] : f32 from vector<1x1xf32>
    %mul3A_38 = vector.broadcast %squeeze3A : f32 to vector<1x256xf32>
    %mul3A_39 = arith.mulf %select_n3A_37, %mul3A_38 : vector<1x256xf32>
    %add3A_40 = arith.addf %div3A, %mul3A_39 : vector<1x256xf32>
    %get3A_41 = arith.constant 0 : index
    %get3A_42 = arith.constant 0 : index
    %get3A_43 = vector.load %arg5[%get3A_41, %get3A_42] : memref<1x1xf32, #tpu.memory_space<vmem>>, vector<1x1xf32>
    %get3A_44 = vector.extract %get3A_43[0, 0] : f32 from vector<1x1xf32>
    %add3A_45 = vector.broadcast %get3A_44 : f32 to vector<1x256xf32>
    %add3A_46 = arith.addf %add3A_40, %add3A_45 : vector<1x256xf32>
    %swap3A = arith.constant 0 : index
    %swap3A_47 = arith.constant 0 : index
    %swap3A_48 = vector.load %arg6[%swap3A, %swap3A_47] : memref<1x256xf32, #tpu.memory_space<vmem>>, vector<1x256xf32>
    tpu.vector_store %arg6[%swap3A, %swap3A_47], %add3A_46 {strides = array<i32>} : memref<1x256xf32, #tpu.memory_space<vmem>>, vector<1x256xf32>,
    return
  }
}

</mosaic_0001>

<sc_bundles>
// kernel: kernel.5.cloned.1.call-start
scs
__scs_entry_jumppad:
0x0: {  	(pc) =	sbr.rel $0x88, $3  }
0x1: {  	(tag) =	ssettag $0x0;
	lr =	simm.s32 $0x1  }
0x2: {  	[smem:$0x3F9A] =	sst lr;
	_ =	strace $0xD0000000  }
0x3: {  	_ = 	snop  }
0x4: {  	_ = 	snop  }
0x5: {  	_ = 	snop  }
0x6: {  	_ = 	snop  }
0x7: {  	_ = 	snop  }
__scs_overlays_trampoline_lowered:
0x8: {  	[smem:$0x3FA9] =	sst s0  }
0x9: {  	[smem:$0x3FAA] =	sst s1  }
0xa: {  	[smem:$0x3FAB] =	sst s2  }
0xb: {  	[smem:$0x3FAC] =	sst s3  }
0xc: {  	[smem:$0x3FAD] =	sst s4  }
0xd: {  	[smem:$0x3FAE] =	sst s5  }
0xe: {  	[smem:$0x3FAF] =	sst s6  }
0xf: {  	[smem:$0x3FB0] =	sst s7  }
0x10: {  	[smem:$0x3FB1] =	sst s8  }
0x11: {  	[smem:$0x3FB2] =	sst s9;
	s0 =	simm.s32 @!p0 $0x0  }
0x12: {  	s1 =	sld [smem:$0x3F98];
	s0 =	simm.s32 @p0 $0x1  }
0x13: {  	[smem:$0x3FB3] =	sst s0;
	s0 =	simm.s32 @!p1 $0x0  }
0x14: {  	s2 =	sld [smem:$0x3F97];
	s0 =	simm.s32 @p1 $0x1  }
0x15: {  	[smem:$0x3FB4] =	sst s0;
	s0 =	simm.s32 @!p2 $0x0  }
0x16: {  	s3 =	sld [smem:$0x3FDB];
	s0 =	simm.s32 @p2 $0x1  }
0x17: {  	s4 =	simm.s32 $0x1BF5;
	[smem:$0x3FB6] =	sst s0  }
0x18: {  	s0 =	sld [smem:$0x3F99];
	_ =	swait.ge [sflag:s4], $0x0  }
0x19: {  	s7 =	sld [smem:$0x3F9A]  }
0x1a: {  	s8 =	sadd.s32 $0xFFFFE003, lr  }
0x1b: {  	s9 =	sadd.s32 $0xFFFFFEF7, lr;
	s5 =	simm.s32 $0xFFFFFFFF;
	p2 =	slt.u32 s8, $0xFFFFF086  }
0x1c: {  	p1 =	slt.u32 s9, $0xF7A;
	s5 =	simm.s32 @!p2 $0x0  }
0x1d: {  	s5 =	simm.s32 @p1 $0x1;
	p0 =	seq.s32 s7, s2  }
0x1e: {  	s7 =	smul.u32 @!p0 $0xF7A, s2;
	p2 =	seq.s32 @!p0 s5, $0x0  }
0x1f: {  	s9 =	smul.u32 $0xF7A, s1;
	s8 =	simm.s32 @!p0 $0x1BF5;
	p2 =	por !p2, p0  }
0x20: {  	[sflag:s8] =	ssyncset.s32 @!p0 $0xFFFFF086;
	s6 =	sadd.s32 @!p0 s3, s7;
	s7 =	simm.s32 @!p0 $0x108  }
0x21: {  	s3 =	sadd.s32 s3, s9;
	s6 =	sadd.s32 @!p0 $0x88, s6;
	s7 =	simm.s32 @p2 $0x1082  }
0x22: {  	[simem:s7], [sflag:s8] =	dma.local @!p0 [hbm:s6], $0xF7A  }
0x23: {  	s9 =	sor.u32 $0xD0000000, s2;
	s6 =	simm.s32 $0x108;
	_ =	swait.ge @!p0 [sflag:s8], $0x0  }
0x24: {  	s3 =	sadd.s32 $0x88, s3;
	s6 =	simm.s32 @!p1 $0x1082;
	[sflag:s4] =	ssyncset.s32 $0xFFFFF086  }
0x25: {  	[simem:s6], [sflag:s4] =	dma.local [hbm:s3], $0xF7A  }
0x26: {  	[smem:$0x3F9A] =	sst s1;
	(tag) =	ssettag s2;
	_ =	strace s9  }
0x27: {  	s1 =	sld [smem:$0x3FAA]  }
0x28: {  	s2 =	sld [smem:$0x3FAB]  }
0x29: {  	s4 =	sld [smem:$0x3FAD]  }
0x2a: {  	p0 =	seq.s32 s5, $0x0;
	s5 =	sld [smem:$0x3FAE]  }
0x2b: {  	s6 =	sld [smem:$0x3FAF]  }
0x2c: {  	s7 =	sld [smem:$0x3FB0]  }
0x2d: {  	s3 =	simm.s32 $0x108;
	s8 =	sld [smem:$0x3FB1]  }
0x2e: {  	s3 =	simm.s32 @!p0 $0x1082;
	s9 =	sld [smem:$0x3FB2]  }
0x2f: {  	lr =	sadd.s32 s0, s3;
	s0 =	sld [smem:$0x3FA9]  }
0x30: {  	s3 =	sld [smem:$0x3FAC]  }
0x31: {  	[smem:$0x3FB5] =	sst s10  }
0x32: {  	s10 =	sld [smem:$0x3FB3];
	_ =	sdelay $0x3  }
0x33: {  	p0 =	seq.s32 s10, $0x1;
	s10 =	sld [smem:$0x3FB5];
	_ =	sdelay $0x3  }
0x34: {  	[smem:$0x3FB5] =	sst s10  }
0x35: {  	s10 =	sld [smem:$0x3FB4];
	_ =	sdelay $0x3  }
0x36: {  	p1 =	seq.s32 s10, $0x1;
	s10 =	sld [smem:$0x3FB5];
	_ =	sdelay $0x3  }
0x37: {  	[smem:$0x3FB5] =	sst s10  }
0x38: {  	s10 =	sld [smem:$0x3FB6]  }
0x39: {  	_ = 	snop;
	(pc) =	sbr.ind lr, $3  }
0x3a: {  	_ = 	snop  }
0x3b: {  	_ = 	snop  }
0x3c: {  	p2 =	seq.s32 s10, $0x1;
	s10 =	sld [smem:$0x3FB5]  }
0x3d: {  	_ =	shalt  }
0x3e: {  	_ =	shalt  }
0x3f: {  	_ =	shalt  }
0x40: {  	_ =	shalt  }
0x41: {  	_ =	shalt  }
0x42: {  	_ =	shalt  }
0x43: {  	_ =	shalt  }
0x44: {  	_ =	shalt  }
0x45: {  	_ =	shalt  }
0x46: {  	_ =	shalt  }
0x47: {  	_ =	shalt  }
0x48: {  	_ =	shalt  }
0x49: {  	_ =	shalt  }
0x4a: {  	_ =	shalt  }
0x4b: {  	_ =	shalt  }
0x4c: {  	_ =	shalt  }
0x4d: {  	_ =	shalt  }
0x4e: {  	_ =	shalt  }
0x4f: {  	_ =	shalt  }
0x50: {  	_ =	shalt  }
0x51: {  	_ =	shalt  }
0x52: {  	_ =	shalt  }
0x53: {  	_ =	shalt  }
0x54: {  	_ =	shalt  }
0x55: {  	_ =	shalt  }
0x56: {  	_ =	shalt  }
0x57: {  	_ =	shalt  }
0x58: {  	_ =	shalt  }
0x59: {  	_ =	shalt  }
0x5a: {  	_ =	shalt  }
0x5b: {  	_ =	shalt  }
0x5c: {  	_ =	shalt  }
0x5d: {  	_ =	shalt  }
0x5e: {  	_ =	shalt  }
0x5f: {  	_ =	shalt  }
0x60: {  	_ =	shalt  }
0x61: {  	_ =	shalt  }
0x62: {  	_ =	shalt  }
0x63: {  	_ =	shalt  }
0x64: {  	_ =	shalt  }
0x65: {  	_ =	shalt  }
0x66: {  	_ =	shalt  }
0x67: {  	_ =	shalt  }
0x68: {  	_ =	shalt  }
0x69: {  	_ =	shalt  }
0x6a: {  	_ =	shalt  }
0x6b: {  	_ =	shalt  }
0x6c: {  	_ =	shalt  }
0x6d: {  	_ =	shalt  }
0x6e: {  	_ =	shalt  }
0x6f: {  	_ =	shalt  }
0x70: {  	_ =	shalt  }
0x71: {  	_ =	shalt  }
0x72: {  	_ =	shalt  }
0x73: {  	_ =	shalt  }
0x74: {  	_ =	shalt  }
0x75: {  	_ =	shalt  }
0x76: {  	_ =	shalt  }
0x77: {  	_ =	shalt  }
0x78: {  	_ =	shalt  }
0x79: {  	_ =	shalt  }
0x7a: {  	_ =	shalt  }
0x7b: {  	_ =	shalt  }
0x7c: {  	_ =	shalt  }
0x7d: {  	_ =	shalt  }
0x7e: {  	_ =	shalt  }
0x7f: {  	_ =	shalt  }
0x80: {  	_ =	shalt  }
0x81: {  	_ =	shalt  }
0x82: {  	_ =	shalt  }
0x83: {  	_ =	shalt  }
0x84: {  	_ =	shalt  }
0x85: {  	_ =	shalt  }
0x86: {  	_ =	shalt  }
0x87: {  	_ =	shalt  }
.Lfunc_end0:
.L_simem_size_0:
called_computation_lowered:
.L_overlay_start_0:
0x88: {  	s2 =	sld [smem:$0x3FD9]  }
0x89: {  	s3 =	sld [smem:$0x3FFE];
	_ =	sdelay $0x1  }
0x8a: {  	s1 =	srdreg.scid  }
0x8b: {  	s0 =	sand.u32 $0x1, s1  }
0x8c: {  	s17 =	sshll.u32 s0, $0xA;
	s2 =	sadd.s32 s3, s2  }
0x8d: {  	s2 =	sadd.s32 s2, s17  }
0x8e: {  	[smem:$0x3FC1] =	sst s2  }
0x8f: {  	_ = 	snop  }
0x90: {  	s2 =	sld [smem:$0x3FC8];
	(tm) =	ssettm $0x1  }
0x91: {  	s18 =	sld [smem:$0x3FFB];
	_ =	sdelay $0x3  }
0x92: {  	_ =	strace s18  }
0x93: {  	s3 =	sld [smem:$0x3FFC];
	_ =	sdelay $0x3  }
0x94: {  	_ =	strace s3  }
0x95: {  	s3 =	sld [smem:$0x3FFD];
	_ =	sdelay $0x3  }
0x96: {  	_ =	strace s3  }
0x97: {  	_ =	strace $0x8FFFFFFF  }
0x98: {  	s19 =	sld [smem:$0x3FDB];
	_ =	sdelay $0x1  }
0x99: {  	s4 =	simm.s32 $_scs_section_size  }
0x9a: {  	s5 =	simm.s32 $_size__tile_overlayer_lowered;
	s6 =	simm.s32 $_tile_overlayer_lowered  }
0x9b: {  	s22 =	simm.s32 $0x1BFF;
	s21 =	sshll.u32 s6, $0x1;
	s3 =	sadd.s32 s4, s19  }
0x9c: {  	s7 =	simm.s32 $0x0;
	s20 =	sshll.u32 s5, $0x1;
	s5 =	sadd.s32 s21, s3  }
0x9d: {  	[timem:s7], [sflag:s22] =	dma.local [hbm:s5], s20  }
0x9e: {  	_ =	swait.ge [sflag:s22], s20  }
0x9f: {  	s4 =	ssub.s32 $0x0, s20;
	[sflag:s22] =	ssyncset.done $0x0  }
0xa0: {  	[sflag:s22] =	ssyncadd.s32 s4;
	_ =	sdelay $0x1  }
0xa1: {  	s23 =	simm.s32 $0x1B8B  }
0xa2: {  	_ =	swait.ge [sflag:s23], $0x1  }
0xa3: {  	[sflag:s23] =	ssyncset.done $0x0  }
0xa4: {  	s25 =	simm.s32 $0x1B8E;
	s24 =	sld [smem:$0x3FFE];
	[sflag:s23] =	ssyncadd.s32 $0xFFFFFFFF  }
0xa5: {  	s26 =	simm.s32 $execute0_lowered;
	[smem:$0x3FD2] =	sst s25  }
0xa6: {  	s5 =	sshll.u32 s26, $0x1;
	_ =	strace $0x80000046;
	[dreg:$0x1] =	wrdreg $0xFFFFFFFF  }
0xa7: {  	s28 =	simm.s32 $_size_execute0_lowered;
	s3 =	sadd.s32 s3, s5;
	[dreg:$0x0] =	wrdreg $0x0  }
0xa8: {  	s5 =	sshll.u32 s28, $0x1;
	[dreg:$0x2] =	wrdreg s3  }
0xa9: {  	[dreg:$0x3] =	wrdreg s5  }
0xaa: {  	[dreg:$0x4] =	wrdreg $0xC0  }
0xab: {  	_ =	task [dreg:s7], $0x5FFFF  }
0xac: {  	[dreg:$0x1] =	wrdreg $0xFFFFFFFF  }
0xad: {  	[dreg:$0x0] =	wrdreg $0x60  }
0xae: {  	[dreg:$0x2] =	wrdreg s24  }
0xaf: {  	[dreg:$0x3] =	wrdreg s2  }
0xb0: {  	[dreg:$0x4] =	wrdreg $0x9  }
0xb1: {  	_ =	task.clear_ibuf [dreg:s7], $0x5FFFF;
	_ =	strace $0x90000046  }
0xb2: {  	s29 =	simm.s32 $0x9;
	_ =	strace $0x80000048  }
0xb3: {  	_ =	swait.ge [sflag:s29], $0x1  }
0xb4: {  	[sflag:s29] =	ssyncadd.s32 $0xFFFFFFFF  }
0xb5: {  	_ =	strace $0x90000048  }
0xb6: {  	_ =	sfence  }
0xb7: {  	s30 =	sld [smem:$0x0];
	_ =	sdelay $0x2  }
0xb8: {  	s31 =	sshll.u32 s1, $0xD;
	s1 =	sshrl.u32 s1, $0x2  }
0xb9: {  	s3 =	sand.u32 $0x4000, s31;
	s1 =	sadd.s32 s1, s30  }
0xba: {  	s0 =	sor.u32 s3, s0;
	s1 =	sshll.u32 s1, $0x11  }
0xbb: {  	s0 =	sor.u32 s1, s0  }
0xbc: {  	s0 =	sadd.s32 $0x8F2B, s0  }
0xbd: {  	[sflag:s0] =	ssyncadd.remote.s32 $0x1  }
0xbe: {  	_ =	sfence.sel $0xFFFF  }
0xbf: {  	[dreg:$0x0] =	wrdreg $0xFFFFFFFF;
	(pc) =	sbr.abs _section_cstart, $3  }
0xc0: {  	[dreg:$0x1] =	wrdreg $0xFFFFFFFF  }
0xc1: {  	_ =	task.clear_ibuf [dreg:s7], $0x2FFFF;
	_ =	strace $0x9FFFFFFF  }
0xc2: {  	(tm) =	ssettm $0x7FFFFFFF  }
0xc3: {  	_ =	shalt  }
tec
execute0_lowered:
.L_overlay_start_1:
0x0: {  	(tag) =	ssettag $0x1  }
0x1: {  	s3 =	rddreg [dreg:$0x0]  }
0x2: {  	s9 =	rddreg [dreg:$0x1]  }
0x3: {  	v0 =	vimm.s32 $0xEDCBA987;
	v1 =	vimm.s32 $0x65432100;
	s0 =	rddreg [dreg:$0x2];
	v2 =	vimm.s32 $0x54321000  }
0x4: {  	s4 =	srdreg.scid;
	s1 =	stileid.u32;
	v3 =	vimm.s32 $0xDCBA9876;
	v5 =	vimm.s32 $0xFFEDCBA9;
	v6 =	vimm.s32 $0x87654321  }
0x5: {  	s2 =	simm.s32 $0x0;
	v4 =	vimm.s32 $0xE40000;
	v7 =	vimm.s32 $0x32100000;
	v8 =	vimm.s32 $0x7060504;
	s14 =	simm.s32 $0xC80;
	s15 =	simm.s32 $0x1900  }
0x6: {  	vm0 =	vcmask $0x3F30;
	s16 =	simm.s32 $0x2580;
	vm1 =	vcmask $0x3F04;
	s17 =	simm.s32 $0x2680;
	s18 =	simm.s32 $0x2780;
	v0 =	vunpack.c.l.s4.s8 v0  }
0x7: {  	s19 =	simm.s32 $0x80;
	vm2 =	vcmask $0x3F08;
	s20 =	simm.s32 $0x400;
	s21 =	simm.s32 $0x2;
	v1 =	vunpack.c.l.s4.s8 v1;
	v2 =	vunpack.c.l.s4.s8 v2  }
0x8: {  	s22 =	simm.s32 $0x0;
	s4 =	sand.u32 $0x1, s4;
	s5 =	sshll.u32 s1, $0x1;
	v3 =	vunpack.c.l.s4.s8 v3;
	v4 =	vunpack.c.l.s2.s4 v4;
	v0 =	vunpack.c.0.s8.s32 v0  }
0x9: {  	[smem:$0x7FF] =	sst s2;
	s6 =	sshll.u32 s1, $0x6;
	s8 =	sadd.s32 $0x1600, s3;
	v5 =	vunpack.c.l.s4.s8 v5;
	v6 =	vunpack.c.l.s4.s8 v6;
	v1 =	vunpack.c.0.s8.s32 v1  }
0xa: {  	s11 =	sadd.s32 $0x4800, s3;
	v7 =	vunpack.c.l.s4.s8 v7;
	s5 =	sor.u32 s4, s5;
	_ =	strace $0x80000047;
	v4 =	vunpack.c.l.s4.s8 v4;
	v0 =	vand.u32 $0xF, v0  }
0xb: {  	s6 =	sand.u32 $0x300, s6;
	s4 =	ssub.s32 $0x2, s4;
	s7 =	sshll.u32 s5, $0x4;
	v5 =	vunpack.c.0.s8.s32 v5;
	v6 =	vunpack.c.0.s8.s32 v6;
	v0 =	vcombine.low v1, v0  }
0xc: {  	s10 =	smul.u32 $0xC40, s5;
	s30 =	sshrl.u32 s4, $0x1;
	s7 =	sand.u32 $0x70, s7;
	v1 =	vunpack.c.0.s8.s32 v2;
	v2 =	vunpack.c.0.s8.s32 v3;
	v3 =	vimm.s32 $0xBA987654  }
0xd: {  	vm3 =	vcmask $0x3F10;
	p0 =	seq.s32 s5, $0x1F;
	s13 =	ssub.s32 s4, s30;
	s6 =	sor.u32 s6, s7;
	v4 =	vunpack.c.0.s8.s32 v4;
	v3 =	vunpack.c.l.s4.s8 v3  }
0xe: {  	vm4 =	vcmask $0x3F20;
	s31 =	sshrl.u32 s10, $0x3;
	v6 =	vcombine.low v6, v5;
	v5 =	vunpack.c.0.s8.s32 v7;
	s13 =	smax.u32 s13, $0x1;
	s12 =	sadd.s32 s6, s3  }
0xf: {  	v7 =	vunpack.c.0.s8.s32 v8;
	s3 =	sadd.s32 s8, s31;
	s4 =	sadd.s32 s11, s31;
	s10 =	sadd.s32 $0x15C, s31;
	v8 =	vand.u32 $0x3, v4;
	v3 =	vunpack.c.0.s8.s32 v3  }
0x10: {  	s5 =	sadd.s32 s9, s31;
	s6 =	sadd.s32 s8, s10;
	s7 =	sadd.s32 s11, s10;
	v4 =	vimm.f32 $0.0e+00;
	v6 =	vand.u32 $0xF, v6;
	v2 =	vand.u32 $0xF, v2  }
0x11: {  	s8 =	simm.s32 $0x57;
	s9 =	sadd.s32 s9, s10;
	s10 =	sadd.s32 $0x7A00, s12;
	v1 =	vcombine.low v1, v2;
	v2 =	vimm.f32 $-Inf;
	v3 =	vand.u32 $0xF, v3  }
0x12: {  	s11 =	sadd.s32 $0x7E00, s12;
	s12 =	sadd.s32 $0x8200, s12;
	s8 =	simm.s32 @!p0 $0x62;
	v3 =	vcombine.low v5, v3;
	v5 =	vsel vm0, v7, v8;
	vm0 =	vcmask $0x3F3C  }
.LBB2_1:
0x13: {  	[tilespmem:s2], [sflag:$0x1] =	stream.linear.gather [hbm4b:s3+s2], $0xAE0, $0x38;
	[tilespmem:$0x2880] =	vst v63  }
0x14: {  	_ = 	snop  }
0x15: {  	[tilespmem:s14], [sflag:$0x1] =	stream.linear.gather [hbm4b:s4+s2], $0xAE0, $0x38;
	[tilespmem:$0x2880] =	vst v63  }
0x16: {  	s23 =	simm.s32 @p0 $0x1  }
0x17: {  	[tilespmem:s15], [sflag:$0x1] =	stream.linear.gather [hbm4b:s5+s2], $0xAE0, $0x38;
	[tilespmem:$0x2880] =	vst v63  }
0x18: {  	_ =	swait.ge @p0 [sflag:s23], $0xAE0  }
0x19: {  	[sflag:s23] =	ssyncset.done @p0 $0x0  }
0x1a: {  	[sflag:s23] =	ssyncadd.s32 @p0 $0xFFFFF520  }
0x1b: {  	_ =	swait.ge @p0 [sflag:s23], $0xAE0  }
0x1c: {  	[sflag:s23] =	ssyncset.done @p0 $0x0  }
0x1d: {  	[sflag:s23] =	ssyncadd.s32 @p0 $0xFFFFF520  }
0x1e: {  	_ =	swait.ge @p0 [sflag:s23], $0xAE0  }
0x1f: {  	[sflag:s23] =	ssyncset.done @p0 $0x0  }
0x20: {  	s24 =	simm.s32 @!p0 $0xAE0;
	[sflag:s23] =	ssyncadd.s32 @p0 $0xFFFFF520;
	s23 =	simm.s32 @!p0 $0x0  }
0x21: {  	[tilespmem:s24], [sflag:$0x1] =	stream.linear.gather @!p0 [hbm4b:s6+s23], $0x160, $0x38;
	[tilespmem:$0x2880] =	vst v63  }
0x22: {  	s24 =	simm.s32 @!p0 $0x1760  }
0x23: {  	[tilespmem:s24], [sflag:$0x1] =	stream.linear.gather @!p0 [hbm4b:s7+s23], $0x160, $0x38;
	[tilespmem:$0x2880] =	vst v63  }
0x24: {  	s24 =	simm.s32 @!p0 $0x23E0  }
0x25: {  	[tilespmem:s24], [sflag:$0x1] =	stream.linear.gather @!p0 [hbm4b:s9+s23], $0x160, $0x38;
	[tilespmem:$0x2880] =	vst v63  }
0x26: {  	s23 =	simm.s32 @!p0 $0x1  }
0x27: {  	_ =	swait.ge @!p0 [sflag:s23], $0xAE0  }
0x28: {  	[sflag:s23] =	ssyncset.done @!p0 $0x0  }
0x29: {  	[sflag:s23] =	ssyncadd.s32 @!p0 $0xFFFFF520  }
0x2a: {  	_ =	swait.ge @!p0 [sflag:s23], $0xAE0  }
0x2b: {  	[sflag:s23] =	ssyncset.done @!p0 $0x0  }
0x2c: {  	[sflag:s23] =	ssyncadd.s32 @!p0 $0xFFFFF520  }
0x2d: {  	_ =	swait.ge @!p0 [sflag:s23], $0xAE0  }
0x2e: {  	[sflag:s23] =	ssyncset.done @!p0 $0x0  }
0x2f: {  	[sflag:s23] =	ssyncadd.s32 @!p0 $0xFFFFF520  }
0x30: {  	_ =	swait.ge @!p0 [sflag:s23], $0x160  }
0x31: {  	[sflag:s23] =	ssyncset.done @!p0 $0x0  }
0x32: {  	[sflag:s23] =	ssyncadd.s32 @!p0 $0xFFFFFEA0  }
0x33: {  	_ =	swait.ge @!p0 [sflag:s23], $0x160  }
0x34: {  	[sflag:s23] =	ssyncset.done @!p0 $0x0  }
0x35: {  	[sflag:s23] =	ssyncadd.s32 @!p0 $0xFFFFFEA0  }
0x36: {  	_ =	swait.ge @!p0 [sflag:s23], $0x160  }
0x37: {  	[sflag:s23] =	ssyncset.done @!p0 $0x0  }
0x38: {  	[sflag:s23] =	ssyncadd.s32 @!p0 $0xFFFFFEA0  }
0x39: {  	[tilespmem:$0x2580] =	vst v2  }
0x3a: {  	[tilespmem:$0x2680] =	vst v4  }
0x3b: {  	[tilespmem:$0x2780] =	vst v4  }
0x3c: {  	[tilespmem:$0x2590] =	vst v2  }
0x3d: {  	[tilespmem:$0x2690] =	vst v4  }
0x3e: {  	[tilespmem:$0x2790] =	vst v4  }
0x3f: {  	[tilespmem:$0x25A0] =	vst v2  }
0x40: {  	[tilespmem:$0x26A0] =	vst v4  }
0x41: {  	[tilespmem:$0x27A0] =	vst v4  }
0x42: {  	[tilespmem:$0x25B0] =	vst v2  }
0x43: {  	[tilespmem:$0x26B0] =	vst v4  }
0x44: {  	[tilespmem:$0x27B0] =	vst v4  }
0x45: {  	[tilespmem:$0x25C0] =	vst v2  }
0x46: {  	[tilespmem:$0x26C0] =	vst v4  }
0x47: {  	[tilespmem:$0x27C0] =	vst v4  }
0x48: {  	[tilespmem:$0x25D0] =	vst v2  }
0x49: {  	[tilespmem:$0x26D0] =	vst v4  }
0x4a: {  	[tilespmem:$0x27D0] =	vst v4  }
0x4b: {  	[tilespmem:$0x25E0] =	vst v2  }
0x4c: {  	[tilespmem:$0x26E0] =	vst v4  }
0x4d: {  	[tilespmem:$0x27E0] =	vst v4  }
0x4e: {  	[tilespmem:$0x25F0] =	vst v2  }
0x4f: {  	[tilespmem:$0x26F0] =	vst v4  }
0x50: {  	[tilespmem:$0x27F0] =	vst v4  }
0x51: {  	[tilespmem:$0x2600] =	vst v2  }
0x52: {  	[tilespmem:$0x2700] =	vst v4  }
0x53: {  	[tilespmem:$0x2800] =	vst v4  }
0x54: {  	[tilespmem:$0x2610] =	vst v2  }
0x55: {  	[tilespmem:$0x2710] =	vst v4  }
0x56: {  	[tilespmem:$0x2810] =	vst v4  }
0x57: {  	[tilespmem:$0x2620] =	vst v2  }
0x58: {  	[tilespmem:$0x2720] =	vst v4  }
0x59: {  	[tilespmem:$0x2820] =	vst v4  }
0x5a: {  	[tilespmem:$0x2630] =	vst v2  }
0x5b: {  	[tilespmem:$0x2730] =	vst v4  }
0x5c: {  	[tilespmem:$0x2830] =	vst v4  }
0x5d: {  	[tilespmem:$0x2640] =	vst v2  }
0x5e: {  	[tilespmem:$0x2740] =	vst v4  }
0x5f: {  	[tilespmem:$0x2840] =	vst v4  }
0x60: {  	[tilespmem:$0x2650] =	vst v2  }
0x61: {  	[tilespmem:$0x2750] =	vst v4  }
0x62: {  	[tilespmem:$0x2850] =	vst v4  }
0x63: {  	[tilespmem:$0x2660] =	vst v2  }
0x64: {  	[tilespmem:$0x2760] =	vst v4  }
0x65: {  	p1 =	sne.s32 s8, $0x1;
	[tilespmem:$0x2860] =	vst v4  }
.Ltmp0:
0x66: {  	[tilespmem:$0x2670] =	vst v2;
	(pc) =	sbr.rel @!p1 .LBB2_3-.Ltmp0, $4  }
0x67: {  	[tilespmem:$0x2770] =	vst v4  }
0x68: {  	s23 =	simm.s32 $0x10;
	[tilespmem:$0x2870] =	vst v4  }
0x69: {  	s24 =	simm.s32 $0x1910;
	v8 =	vld [tilespmem:s23+$0xFFFFFFF0]  }
0x6a: {  	s28 =	sadd.s32 $0xFFFFFFFF, s8;
	s25 =	simm.s32 $0x10;
	s26 =	simm.s32 $0x1910;
	v7 =	vld [tilespmem:s24+$0xFFFFFFF0]  }
.LBB2_2:
0x6b: {  	p2 =	sne.s32 s28, $0x1;
	_ =	sdelay $0x3  }
0x6c: {  	v10 =	vperm.xlane v8, v0;
	v9 =	vperm.xlane v7, v0;
	v11 =	vld [tilespmem:s25+$0x0]  }
0x6d: {  	v12 =	vld [tilespmem:s26+$0x0]  }
0x6e: {  	vm5 =	veq.s32 v9, v7;
	v9 =	vmax.f32 v8, v10  }
0x6f: {  	v8 =	vsel vm5, v9, v8  }
0x70: {  	v9 =	vperm.xlane v7, v1;
	v10 =	vperm.xlane v8, v1  }
0x71: {  	v13 =	vperm.xlane v11, v0  }
0x72: {  	vm5 =	veq.s32 v9, v7;
	v9 =	vmax.f32 v8, v10;
	v10 =	vperm.xlane v12, v0  }
0x73: {  	v8 =	vsel vm5, v9, v8;
	v9 =	vperm.xlane v7, v3;
	v13 =	vmax.f32 v11, v13  }
0x74: {  	v15 =	vperm.xlane v7, v6;
	v14 =	vperm.xlane v8, v3;
	vm5 =	veq.s32 v10, v12  }
0x75: {  	v10 =	vsel vm5, v13, v11;
	v11 =	vperm.xlane v12, v1  }
0x76: {  	vm6 =	vne.s32 v7, v15;
	vm5 =	veq.s32 v9, v7;
	v9 =	vmax.f32 v8, v14;
	v13 =	vld.idx.msk [tilespmem:v7+s16+$0x0], $0xffff  }
0x77: {  	v8 =	vsel vm5, v9, v8;
	vm5 =	vmor vm6, vm0;
	v9 =	vperm.xlane v10, v1  }
0x78: {  	v14 =	vperm.xlane v7, v5;
	v15 =	vperm.xlane v8, v5  }
0x79: {  	vm6 =	veq.s32 v11, v12  }
0x7a: {  	vm7 =	veq.s32 v14, v7;
	v9 =	vmax.f32 v10, v9;
	v11 =	vmax.f32 v8, v15  }
0x7b: {  	v9 =	vsel vm6, v9, v10;
	v10 =	vperm.xlane v12, v3;
	v8 =	vsel vm7, v11, v8  }
0x7c: {  	v14 =	vperm.xlane v12, v6;
	v11 =	vperm.xlane v9, v3;
	v8 =	vmax.f32 v13, v8  }
0x7d: {  	[tilespmem:v7+s16+$0x0] =	vst.idx.msk vm5, v8  }
0x7e: {  	vm6 =	vne.s32 v12, v14;
	vm5 =	veq.s32 v10, v12;
	v7 =	vmax.f32 v9, v11;
	v8 =	vld.idx.msk [tilespmem:v12+s16+$0x0], $0xffff  }
0x7f: {  	v7 =	vsel vm5, v7, v9;
	vm5 =	vmor vm6, vm0  }
0x80: {  	v9 =	vperm.xlane v12, v5;
	v10 =	vperm.xlane v7, v5;
	_ =	sdelay $0x1  }
0x81: {  	vm6 =	veq.s32 v9, v12;
	v9 =	vmax.f32 v7, v10  }
.Ltmp1:
0x82: {  	v7 =	vsel vm6, v9, v7;
	(pc) =	sbr.rel @p2 .LBB2_2-.Ltmp1, $4  }
0x83: {  	v7 =	vmax.f32 v8, v7  }
0x84: {  	s25 =	sadd.s32 $0x20, s25;
	[tilespmem:v12+s16+$0x0] =	vst.idx.msk vm5, v7  }
0x85: {  	s26 =	sadd.s32 $0x20, s26;
	v8 =	vld [tilespmem:s25+$0xFFFFFFF0]  }
0x86: {  	s28 =	sadd.s32 $0xFFFFFFFF, s28;
	v7 =	vld [tilespmem:s26+$0xFFFFFFF0]  }
.LBB2_3:
0x87: {  	_ =	sdelay $0x3  }
0x88: {  	v11 =	vld [tilespmem:s25+$0x0];
	v10 =	vperm.xlane v8, v0;
	v9 =	vperm.xlane v7, v0  }
0x89: {  	v12 =	vld [tilespmem:s26+$0x0]  }
0x8a: {  	vm5 =	veq.s32 v9, v7;
	v9 =	vmax.f32 v8, v10  }
0x8b: {  	v8 =	vsel vm5, v9, v8  }
0x8c: {  	v9 =	vperm.xlane v7, v1;
	v10 =	vperm.xlane v8, v1  }
0x8d: {  	v13 =	vperm.xlane v11, v0  }
0x8e: {  	vm5 =	veq.s32 v9, v7;
	v9 =	vmax.f32 v8, v10;
	v10 =	vperm.xlane v12, v0  }
0x8f: {  	v15 =	vperm.xlane v7, v6;
	v13 =	vmax.f32 v11, v13;
	v8 =	vsel vm5, v9, v8  }
0x90: {  	v9 =	vperm.xlane v7, v3;
	v14 =	vperm.xlane v8, v3;
	vm5 =	veq.s32 v10, v12  }
0x91: {  	vm6 =	vne.s32 v7, v15;
	v10 =	vsel vm5, v13, v11  }
0x92: {  	v11 =	vperm.xlane v12, v1;
	vm5 =	veq.s32 v9, v7;
	v9 =	vmax.f32 v8, v14  }
0x93: {  	v32 =	vld.idx.msk [tilespmem:v7+s16+$0x0], $0xffff;
	v8 =	vsel vm5, v9, v8;
	vm5 =	vmor vm6, vm0;
	v9 =	vperm.xlane v10, v1  }
0x94: {  	v33 =	vperm.xlane v7, v5;
	v34 =	vperm.xlane v8, v5  }
0x95: {  	v35 =	vperm.xlane v12, v6;
	vm6 =	veq.s32 v11, v12;
	v9 =	vmax.f32 v10, v9  }
0x96: {  	vm7 =	veq.s32 v33, v7;
	v11 =	vmax.f32 v8, v34;
	v9 =	vsel vm6, v9, v10  }
0x97: {  	v10 =	vperm.xlane v12, v3;
	v8 =	vsel vm7, v11, v8;
	v11 =	vperm.xlane v9, v3  }
0x98: {  	vm6 =	vne.s32 v12, v35;
	v8 =	vmax.f32 v32, v8  }
0x99: {  	[tilespmem:v7+s16+$0x0] =	vst.idx.msk vm5, v8;
	vm5 =	veq.s32 v10, v12;
	v7 =	vmax.f32 v9, v11  }
0x9a: {  	v8 =	vld.idx.msk [tilespmem:v12+s16+$0x0], $0xffff;
	v7 =	vsel vm5, v7, v9;
	vm5 =	vmor vm6, vm0  }
0x9b: {  	v9 =	vperm.xlane v12, v5;
	v10 =	vperm.xlane v7, v5;
	_ =	sdelay $0x1  }
0x9c: {  	vm6 =	veq.s32 v9, v12;
	v9 =	vmax.f32 v7, v10  }
0x9d: {  	v7 =	vsel vm6, v9, v7  }
0x9e: {  	v7 =	vmax.f32 v8, v7  }
0x9f: {  	[tilespmem:v12+s16+$0x0] =	vst.idx.msk vm5, v7  }
0xa0: {  	v8 =	vld [tilespmem:s24+$0xFFFFFFF0];
	_ =	sdelay $0x1  }
0xa1: {  	v7 =	vld [tilespmem:s24+$0x0];
	_ =	sdelay $0x4  }
0xa2: {  	v10 =	vld [tilespmem:s23+$0xFFFFFFF0]  }
0xa3: {  	v9 =	vld.idx.msk [tilespmem:v8+s16+$0x0], $0xffff  }
0xa4: {  	v12 =	vld [tilespmem:s23+$0x0]  }
0xa5: {  	v11 =	vld.idx.msk [tilespmem:v7+s16+$0x0], $0xffff;
	_ =	sdelay $0x2  }
0xa6: {  	v9 =	vsub.f32 v10, v9;
	_ =	sdelay $0x1  }
0xa7: {  	v10 =	vsub.f32 v12, v11;
	v9 =	vmul.f32 $1.442695020e+00, v9;
	_ =	sdelay $0x1  }
0xa8: {  	(erf) = vpow2.f32 v9;
	v9 =	vmul.f32 $1.442695020e+00, v10;
	_ =	sdelay $0x1  }
0xa9: {  	(erf) = vpow2.f32 v9  }
0xaa: {  	v9 =	vperm.xlane v8, v0  }
0xab: {  	s25 =	simm.s32 $0xC90;
	v36 =	vperm.xlane v8, v3  }
0xac: {  	v11 =	vperm.xlane v8, v1;
	v10 =	vld [tilespmem:s25+$0xFFFFFFF0];
	vm9 =	veq.s32 v9, v8;
	v9 =	vperm.xlane v7, v0  }
0xad: {  	v37 =	vperm.xlane v8, v6;
	v38 =	vperm.xlane v7, v1  }
0xae: {  	vm10 =	veq.s32 v11, v8;
	v11 =	vld [tilespmem:s25+$0x0];
	vm11 =	veq.s32 v9, v7;
	v9 =	vperm.xlane v7, v6  }
0xaf: {  	v39 =	vperm.xlane v7, v3;
	v16 =	vperm.xlane v8, v5  }
0xb0: {  	v47 =	vperm.xlane v7, v5;
	vm7 =	veq.s32 v36, v8;
	vm6 =	vne.s32 v8, v37;
	v40 =	vpop (erf)  }
0xb1: {  	vm12 =	veq.s32 v38, v7;
	v10 =	vmul.f32 v40, v10;
	v41 =	vperm.xlane v40, v0  }
0xb2: {  	vm8 =	veq.s32 v39, v7;
	vm9 =	vmand vm9, vm1;
	vm5 =	vne.s32 v7, v9;
	v9 =	vpop (erf)  }
0xb3: {  	v42 =	vperm.xlane v10, v0;
	v12 =	vnsel vm9, $0x0, v41;
	v11 =	vmul.f32 v9, v11  }
0xb4: {  	vm14 =	veq.s32 v47, v7;
	v43 =	vperm.xlane v9, v0;
	v12 =	vadd.f32 v12, v40  }
0xb5: {  	vm11 =	vmand vm11, vm1;
	v44 =	vnsel vm9, $0x0, v42;
	v45 =	vperm.xlane v11, v0  }
0xb6: {  	v15 =	vnsel vm11, $0x0, v43;
	v10 =	vadd.f32 v44, v10;
	v46 =	vperm.xlane v12, v1  }
0xb7: {  	vm15 =	vmand vm10, vm2;
	v9 =	vadd.f32 v15, v9;
	v14 =	vnsel vm11, $0x0, v45  }
0xb8: {  	v13 =	vnsel vm15, $0x0, v46;
	v11 =	vadd.f32 v14, v11;
	v48 =	vperm.xlane v10, v1  }
0xb9: {  	vm13 =	vmand vm12, vm2;
	v49 =	vperm.xlane v9, v1;
	v12 =	vadd.f32 v13, v12  }
0xba: {  	vm7 =	vmand vm7, vm3;
	v14 =	vnsel vm15, $0x0, v48;
	v50 =	vperm.xlane v11, v1  }
0xbb: {  	v13 =	vnsel vm13, $0x0, v49;
	v10 =	vadd.f32 v14, v10;
	v51 =	vperm.xlane v12, v3  }
0xbc: {  	vm10 =	veq.s32 v16, v8;
	v9 =	vadd.f32 v13, v9;
	v52 =	vnsel vm13, $0x0, v50  }
0xbd: {  	v14 =	vnsel vm7, $0x0, v51;
	v53 =	vperm.xlane v10, v3;
	v11 =	vadd.f32 v52, v11  }
0xbe: {  	vm15 =	vmor vm6, vm0;
	v54 =	vperm.xlane v9, v3;
	v12 =	vadd.f32 v14, v12  }
0xbf: {  	v55 =	vnsel vm7, $0x0, v53;
	vm7 =	vmand vm8, vm3;
	v56 =	vperm.xlane v11, v3  }
0xc0: {  	vm6 =	vmor vm5, vm0;
	v10 =	vadd.f32 v55, v10;
	v13 =	vnsel vm7, $0x0, v54  }
0xc1: {  	v57 =	vperm.xlane v12, v5;
	v9 =	vadd.f32 v13, v9;
	v58 =	vnsel vm7, $0x0, v56  }
0xc2: {  	vm8 =	vmand vm10, vm4;
	v59 =	vperm.xlane v10, v5;
	v11 =	vadd.f32 v58, v11  }
0xc3: {  	vm5 =	vmand vm14, vm4;
	v14 =	vnsel vm8, $0x0, v57;
	v60 =	vperm.xlane v9, v5  }
.Ltmp2:
0xc4: {  	v12 =	vadd.f32 v14, v12;
	v61 =	vnsel vm8, $0x0, v59;
	v62 =	vperm.xlane v11, v5;
	(pc) =	sbr.rel @!p1 .LBB2_5-.Ltmp2, $4  }
0xc5: {  	v10 =	vadd.f32 v61, v10;
	v13 =	vnsel vm5, $0x0, v60  }
0xc6: {  	[tilespmem:v8+s17+$0x0] =	vst.idx.add.f32.msk vm15, v12;
	v63 =	vadd.f32 v13, v9;
	v9 =	vnsel vm5, $0x0, v62  }
0xc7: {  	[tilespmem:v8+s18+$0x0] =	vst.idx.add.f32.msk vm15, v10;
	v9 =	vadd.f32 v9, v11  }
0xc8: {  	s26 =	sadd.s32 $0xFFFFFFFF, s8;
	[tilespmem:v7+s17+$0x0] =	vst.idx.add.f32.msk vm6, v63  }
.LBB2_4:
0xc9: {  	[tilespmem:v7+s18+$0x0] =	vst.idx.add.f32.msk vm6, v9;
	s25 =	sadd.s32 $0x20, s25;
	s23 =	sadd.s32 $0x20, s23;
	s24 =	sadd.s32 $0x20, s24  }
0xca: {  	p1 =	sne.s32 s26, $0x1;
	s26 =	sadd.s32 $0xFFFFFFFF, s26;
	v8 =	vld [tilespmem:s24+$0xFFFFFFF0];
	_ =	sdelay $0x1  }
0xcb: {  	v7 =	vld [tilespmem:s24+$0x0];
	_ =	sdelay $0x2  }
0xcc: {  	v9 =	vperm.xlane v8, v0;
	v10 =	vperm.xlane v8, v1  }
0xcd: {  	v11 =	vperm.xlane v8, v3;
	v12 =	vperm.xlane v8, v6  }
0xce: {  	vm13 =	veq.s32 v9, v8;
	vm10 =	veq.s32 v10, v8;
	v9 =	vperm.xlane v7, v0  }
0xcf: {  	vm9 =	veq.s32 v11, v8;
	v11 =	vperm.xlane v7, v1;
	v13 =	vperm.xlane v7, v3;
	v10 =	vld.idx.msk [tilespmem:v8+s16+$0x0], $0xffff  }
0xd0: {  	vm7 =	vne.s32 v8, v12;
	v14 =	vld [tilespmem:s23+$0xFFFFFFF0];
	vm14 =	veq.s32 v9, v7;
	v9 =	vperm.xlane v7, v6  }
0xd1: {  	v12 =	vperm.xlane v8, v5;
	vm11 =	veq.s32 v11, v7;
	vm8 =	veq.s32 v13, v7;
	v15 =	vld.idx.msk [tilespmem:v7+s16+$0x0], $0xffff  }
0xd2: {  	v13 =	vperm.xlane v7, v5;
	v11 =	vld [tilespmem:s23+$0x0];
	vm6 =	vne.s32 v7, v9  }
0xd3: {  	vm12 =	veq.s32 v12, v8  }
0xd4: {  	vm5 =	veq.s32 v13, v7  }
0xd5: {  	v9 =	vsub.f32 v14, v10;
	_ =	sdelay $0x1  }
0xd6: {  	v9 =	vmul.f32 $1.442695020e+00, v9;
	v10 =	vsub.f32 v11, v15;
	_ =	sdelay $0x1  }
0xd7: {  	v10 =	vmul.f32 $1.442695020e+00, v10;
	(erf) = vpow2.f32 v9;
	_ =	sdelay $0x1  }
0xd8: {  	(erf) = vpow2.f32 v10;
	_ =	sdelay $0x2  }
0xd9: {  	v9 =	vld [tilespmem:s25+$0xFFFFFFF0];
	_ =	sdelay $0x1  }
0xda: {  	v10 =	vld [tilespmem:s25+$0x0];
	_ =	sdelay $0x1  }
0xdb: {  	v11 =	vpop (erf)  }
0xdc: {  	v9 =	vmul.f32 v11, v9;
	v12 =	vperm.xlane v11, v0  }
0xdd: {  	vm13 =	vmand vm13, vm1;
	v13 =	vpop (erf)  }
0xde: {  	v12 =	vnsel vm13, $0x0, v12;
	v14 =	vperm.xlane v9, v0;
	v10 =	vmul.f32 v13, v10  }
0xdf: {  	v11 =	vadd.f32 v12, v11;
	v12 =	vperm.xlane v13, v0  }
0xe0: {  	v14 =	vnsel vm13, $0x0, v14;
	vm13 =	vmand vm14, vm1;
	v15 =	vperm.xlane v10, v0  }
0xe1: {  	v9 =	vadd.f32 v14, v9;
	v14 =	vperm.xlane v11, v1;
	v12 =	vnsel vm13, $0x0, v12  }
0xe2: {  	vm14 =	vmand vm10, vm2;
	v12 =	vadd.f32 v12, v13;
	v13 =	vnsel vm13, $0x0, v15  }
0xe3: {  	v14 =	vnsel vm14, $0x0, v14;
	v15 =	vperm.xlane v9, v1;
	v10 =	vadd.f32 v13, v10  }
0xe4: {  	vm10 =	vmand vm12, vm4;
	v11 =	vadd.f32 v14, v11;
	v13 =	vperm.xlane v12, v1  }
0xe5: {  	vm11 =	vmand vm11, vm2;
	v14 =	vnsel vm14, $0x0, v15;
	v15 =	vperm.xlane v10, v1  }
0xe6: {  	v9 =	vadd.f32 v14, v9;
	v14 =	vperm.xlane v11, v3;
	v13 =	vnsel vm11, $0x0, v13  }
0xe7: {  	vm9 =	vmand vm9, vm3;
	v12 =	vadd.f32 v13, v12;
	v13 =	vnsel vm11, $0x0, v15  }
0xe8: {  	v14 =	vnsel vm9, $0x0, v14;
	v15 =	vperm.xlane v9, v3;
	v10 =	vadd.f32 v13, v10  }
0xe9: {  	vm7 =	vmor vm7, vm0;
	v11 =	vadd.f32 v14, v11;
	v13 =	vperm.xlane v12, v3  }
0xea: {  	vm8 =	vmand vm8, vm3;
	v14 =	vnsel vm9, $0x0, v15;
	v15 =	vperm.xlane v10, v3  }
0xeb: {  	v9 =	vadd.f32 v14, v9;
	v14 =	vperm.xlane v11, v5;
	v13 =	vnsel vm8, $0x0, v13  }
0xec: {  	vm6 =	vmor vm6, vm0;
	v12 =	vadd.f32 v13, v12;
	v13 =	vnsel vm8, $0x0, v15  }
0xed: {  	v14 =	vnsel vm10, $0x0, v14;
	v15 =	vperm.xlane v9, v5;
	v10 =	vadd.f32 v13, v10  }
0xee: {  	v11 =	vadd.f32 v14, v11;
	v13 =	vperm.xlane v12, v5  }
.Ltmp3:
0xef: {  	vm5 =	vmand vm5, vm4;
	v14 =	vnsel vm10, $0x0, v15;
	v15 =	vperm.xlane v10, v5;
	(pc) =	sbr.rel @p1 .LBB2_4-.Ltmp3, $4  }
0xf0: {  	v14 =	vadd.f32 v14, v9;
	v9 =	vnsel vm5, $0x0, v13;
	[tilespmem:v8+s17+$0x0] =	vst.idx.add.f32.msk vm7, v11  }
0xf1: {  	v11 =	vadd.f32 v9, v12;
	v9 =	vnsel vm5, $0x0, v15  }
0xf2: {  	v9 =	vadd.f32 v9, v10;
	[tilespmem:v8+s18+$0x0] =	vst.idx.add.f32.msk vm7, v14  }
0xf3: {  	[tilespmem:v7+s17+$0x0] =	vst.idx.add.f32.msk vm6, v11  }
.LBB2_5:
0xf4: {  	_ =	sdelay $0x4  }
0xf5: {  	[tilespmem:v7+s18+$0x0] =	vst.idx.add.f32.msk vm6, v9  }
0xf6: {  	[hbm4b:s10+s19] =	stream.strided.scatter [tilespmem:s16], [sflag:$0x2], $0x100, s20, s19, $0x38;
	[tilespmem:$0x2880] =	vst v63  }
0xf7: {  	_ =	swait.ge [sflag:s21], $0x100  }
0xf8: {  	[sflag:s21] =	ssyncset.done $0x0  }
0xf9: {  	[sflag:s21] =	ssyncadd.s32 $0xFFFFFF00  }
0xfa: {  	[hbm4b:s11+s19] =	stream.strided.scatter [tilespmem:s17], [sflag:$0x2], $0x100, s20, s19, $0x38;
	[tilespmem:$0x2880] =	vst v63  }
0xfb: {  	s22 =	sadd.s32 $0x1, s22;
	_ =	swait.ge [sflag:s21], $0x100  }
0xfc: {  	p1 =	sne.s32 s22, s13;
	[sflag:s21] =	ssyncset.done $0x0  }
.Ltmp4:
0xfd: {  	[sflag:s21] =	ssyncadd.s32 $0xFFFFFF00;
	(pc) =	sbr.rel @p1 .LBB2_1-.Ltmp4, $4  }
0xfe: {  	[hbm4b:s12+s19] =	stream.strided.scatter [tilespmem:s18], [sflag:$0x2], $0x100, s20, s19, $0x38;
	[tilespmem:$0x2880] =	vst v63  }
0xff: {  	_ =	swait.ge [sflag:s21], $0x100  }
0x100: {  	[sflag:s21] =	ssyncset.done $0x0  }
0x101: {  	[sflag:s21] =	ssyncadd.s32 $0xFFFFFF00  }
0x102: {  	_ =	sfence.sel $0x180000  }
0x103: {  	[bflag:$0x0] =	sbarrier.arrive $0xFFFF  }
0x104: {  	p0 =	sne.s32 s1, $0x0;
	_ =	strace $0x90000047  }
0x105: {  	s0 =	sadd.s32 @!p0 $0x100000, s0;
	[bflag:$0x2] =	sbarrier.arrive $0xFFFF  }
0x106: {  	[sflag:s0] =	ssyncadd.tile.s32 @!p0 $0x1;
	_ =	shalt  }
.Lfunc_end2:
_tile_overlayer_lowered:
.L_overlay_start_2:
0x107: {  	(tag) =	ssettag $0x2  }
0x108: {  	s0 =	rddreg [dreg:$0x0];
	s2 =	stileid.u32  }
0x109: {  	s1 =	rddreg [dreg:$0x1];
	p0 =	sne.s32 s2, $0x0  }
0x10a: {  	s3 =	rddreg [dreg:$0x2];
	[bflag:$0x3] =	sbarrier.arrive $0xFFFF;
	s2 =	simm.s32 @!p0 $0x1C02  }
0x10b: {  	[timem:s3], [sflag:s2] =	dma.local @!p0 [hbm:s0], s1  }
0x10c: {  	s0 =	simm.s32 @!p0 $0x2  }
0x10d: {  	_ =	swait.ge @!p0 [sflag:s0], s1  }
0x10e: {  	s1 =	ssub.s32 @!p0 $0x0, s1;
	[sflag:s0] =	ssyncset.done @!p0 $0x0  }
0x10f: {  	[sflag:s0] =	ssyncadd.s32 @!p0 s1  }
0x110: {  	[bflag:$0x3] =	sbarrier.arrive $0xFFFF  }
0x111: {  	_ =	shalt  }

</sc_bundles>
